<compile_context>
chip_gen: v7x
topology: tpu7x:2x2x1
jax: 0.10.2.dev20260603
libtpu: 0.0.44.dev20260713+nightly
codegen_flags: <defaults>
</compile_context>

<pallas_src>
import functools

import jax
import jax.numpy as jnp
from jax import lax
from jax.experimental import pallas as pl
from jax.experimental.pallas import tpu as pltpu
from jax.experimental.pallas import tpu_sc as plsc

B = 2
C = 12
J = 23
JP = 32
H, W = 128, 640
HW = H * W
G = 52
G3 = G * G * G
GRID_SPACING = 2.0
OFFSET = -100.0

NC, NS = 2, 16
NW = NC * NS
RPB = 128
BPT = 35
G3P = NW * BPT * RPB
INV_C = 1.0 / C

_mesh = plsc.VectorSubcoreMesh(core_axis_name="c", subcore_axis_name="s")


@functools.partial(
    pl.kernel,
    out_type=jax.ShapeDtypeStruct((B, G3P, JP), jnp.float32),
    mesh=_mesh,
    scratch_types=[
        pltpu.VMEM((C, RPB), jnp.int32),
        pltpu.VMEM((C, RPB, JP), jnp.float32),
        pltpu.VMEM((RPB, JP), jnp.float32),
        pltpu.SemaphoreType.DMA,
    ],
    compiler_params=pltpu.CompilerParams(use_tc_tiling_on_sc=False),
)
def _sc_reproject(table_hbm, idx_hbm, out_hbm, idx_v, rows_v, out_v, sem):
    wid = lax.axis_index("s") * NC + lax.axis_index("c")

    for b in range(B):
        def blk_body(blk, _, b=b):
            base = (wid * BPT + blk) * RPB
            pltpu.sync_copy(idx_hbm.at[b, :, pl.ds(base, RPB)], idx_v)
            copies = [
                pltpu.async_copy(table_hbm.at[idx_v.at[cc]], rows_v.at[cc], sem)
                for cc in range(C)
            ]
            for cp in copies:
                cp.wait()

            def row_body(i, _):
                for h in range(2):
                    sl = pl.ds(h * 16, 16)
                    acc = rows_v[0, i, sl]
                    for cc in range(1, C):
                        acc = acc + rows_v[cc, i, sl]
                    out_v[i, sl] = acc * INV_C
                return 0

            lax.fori_loop(0, RPB, row_body, 0)
            pltpu.sync_copy(out_v, out_hbm.at[b, pl.ds(base, RPB), :])
            return 0

        lax.fori_loop(0, BPT, blk_body, 0)


TBS = 4096


def _pack_block(hm_ref, out_ref):
    x = hm_ref[0]
    xp = jnp.concatenate([x, jnp.zeros((JP - J, TBS), x.dtype)], axis=0)
    q = TBS // 4
    out_ref[...] = jnp.concatenate(
        [xp[:, i * q:(i + 1) * q].T for i in range(4)], axis=1
    )


def _build_table(heatmaps):
    hm = heatmaps.reshape(B * C, J, HW)
    packed = pl.pallas_call(
        _pack_block,
        out_shape=jax.ShapeDtypeStruct((B * C * HW // 4, 4 * JP), jnp.float32),
        grid=(B * C, HW // TBS),
        in_specs=[pl.BlockSpec((1, J, TBS), lambda bc, k: (bc, 0, k))],
        out_specs=pl.BlockSpec(
            (TBS // 4, 4 * JP), lambda bc, k: (bc * (HW // TBS) + k, 0)
        ),
    )(hm)
    return packed.reshape(B * C * HW, JP)


def kernel(heatmaps, center, reproLookup):
    ci = ((center - OFFSET) / GRID_SPACING).astype(jnp.int32)
    crops = []
    for b in range(B):
        start = (jnp.int32(0), ci[b, 0] - G // 2, ci[b, 1] - G // 2, ci[b, 2] - G // 2)
        crops.append(lax.dynamic_slice(reproLookup, start, (C, G, G, G)))
    idx = jnp.stack(crops).reshape(B, C, G3)
    offs = (jnp.arange(B, dtype=jnp.int32)[:, None] * C
            + jnp.arange(C, dtype=jnp.int32)[None, :]) * HW
    t = idx & (TBS - 1)
    idx = (idx & ~(TBS - 1)) + ((t & (TBS // 4 - 1)) << 2) + (t >> 10)
    idx = idx + offs[:, :, None]
    idx = jnp.pad(idx, ((0, 0), (0, 0), (0, G3P - G3)))
    table = _build_table(heatmaps)

    out = _sc_reproject(table, idx)
    out = out[:, :G3, :J]
    return jnp.transpose(out, (0, 2, 1)).reshape(B, J, G, G, G)

# --- scband reference (transcript-rebuilt; emitter-appended) ---
"""Pipeline reference for scband-reprojection-layer-11209864643114 (READ-ONLY COPY).

The authoritative reference and input builder live on the scoring server;
editing this copy changes nothing except your own understanding.
"""

import jax, jax.numpy as jnp
import numpy as np

NUM_CAMERAS = 12
NUM_JOINTS = 23
GRID_SIZE = 52
GRID_SIZE_HALF = 26
LOOKUP_DIM = 100
GRID_SPACING = 2.0
H, W = 128, 640
B = 2
OFFSET = np.array([-100.0, -100.0, -100.0], dtype=np.float32)


def setup_inputs(seed: int = 0) -> dict:
    key = jax.random.key(seed)
    k1, k2, k3 = jax.random.split(key, 3)
    heatmaps = jax.random.uniform(k1, (B, NUM_CAMERAS, NUM_JOINTS, H, W), dtype=jnp.float32)
    # center in [0,1): center_indices = int((c + 100)/2) = 50, so the 52^3 crop
    # [24:76] lies safely inside the 100^3 lookup volume.
    center = jax.random.uniform(k2, (B, 3), dtype=jnp.float32)
    reproLookup = jax.random.randint(
        k3, (NUM_CAMERAS, LOOKUP_DIM, LOOKUP_DIM, LOOKUP_DIM), 0, H * W, dtype=jnp.int32
    )
    return {"heatmaps": heatmaps, "center": center, "reproLookup": reproLookup}


def _get_heatmap_value(hm, lookup_subset):
    # hm: [C, J, H, W] (one batch element of heatmaps)
    # torch.transpose(heatmaps[batch], 0, 1) -> [J, C, H, W]; flatten(2) -> [J, C, H*W]
    flat = jnp.transpose(hm, (1, 0, 2, 3)).reshape(NUM_JOINTS, NUM_CAMERAS, H * W)
    # heatmaps[:, ii, lookup[ii, xx, yy, zz]] -> out[j, c, x, y, z] = flat[j, c, lookup[c, x, y, z]]
    g3 = GRID_SIZE * GRID_SIZE * GRID_SIZE
    idx = lookup_subset.reshape(1, NUM_CAMERAS, g3).astype(jnp.int32)
    idx = jnp.broadcast_to(idx, (NUM_JOINTS, NUM_CAMERAS, g3))
    gathered = jnp.take_along_axis(flat, idx, axis=2)
    gathered = gathered.reshape(NUM_JOINTS, NUM_CAMERAS, GRID_SIZE, GRID_SIZE, GRID_SIZE)
    # torch.mean(..., dim=1): mean over cameras
    return jnp.mean(gathered, axis=1)


def reference(heatmaps, center, reproLookup):
    offset = jnp.asarray(OFFSET)
    center_indices = ((center - offset) / GRID_SPACING).astype(jnp.int32)
    outs = []
    for b in range(B):
        start = (
            jnp.int32(0),
            center_indices[b, 0] - GRID_SIZE_HALF,
            center_indices[b, 1] - GRID_SIZE_HALF,
            center_indices[b, 2] - GRID_SIZE_HALF,
        )
        lookup_subset = jax.lax.dynamic_slice(
            reproLookup, start, (NUM_CAMERAS, GRID_SIZE, GRID_SIZE, GRID_SIZE)
        )
        outs.append(_get_heatmap_value(heatmaps[b], lookup_subset))
    return jnp.stack(outs, axis=0)  # [B, 23, G, G, G]

if __name__ == "__main__":
    import jax
    _d = setup_inputs()
    print(jax.jit(kernel)(*tuple(_d.values())))

</pallas_src>

<mosaic_0001>
#map = affine_map<(d0, d1) -> (0, 0)>
#map1 = affine_map<(d0, d1) -> (0, 0, 0)>
module attributes {stable_mosaic.version = 14 : i64} {
  func.func @_sc_reproject(%arg0: i32, %arg1: i32, %arg2: memref<1966080x32xf32, #tpu.memory_space<hbm>>, %arg3: memref<2x12x143360xi32, #tpu.memory_space<hbm>>, %arg4: memref<2x143360x32xf32, #tpu.memory_space<hbm>>, %arg5: memref<12x128xi32, #tpu.memory_space<vmem>>, %arg6: memref<12x128x32xf32, #tpu.memory_space<vmem>>, %arg7: memref<128x32xf32, #tpu.memory_space<vmem>>, %arg8: memref<!tpu.dma_semaphore, #tpu.memory_space<semaphore_mem>>) attributes {dimension_semantics = [#tpu.dimension_semantics<core_parallel>, #tpu.dimension_semantics<subcore_parallel>], iteration_bounds = array<i64: 2, 16>, scalar_prefetch = 0 : i64, scratch_operands = 4 : i64, tpu.core_type = #tpu.core_type<sc_vector_subcore>, window_params = [{transform_indices = #map}, {transform_indices = #map1}, {transform_indices = #map1}]} {
    %mul3A = arith.constant 2 : i32
    %mul3A_0 = arith.muli %arg1, %mul3A : i32
    %add3A = arith.addi %mul3A_0, %arg0 : i32
    %scan3A = arith.constant 0 : i32
    %scan3A_1 = arith.constant 0 : i32
    %scan3A_2 = arith.constant 35 : i32
    %scan3A_3 = arith.addi %scan3A_1, %scan3A_2 : i32
    %scan3A_4 = arith.constant 1 : i32
    %scan3A_5 = scf.for %scan3A_14 = %scan3A_1 to %scan3A_3 step %scan3A_4 iter_args(%scan3A_15 = %scan3A) -> (i32)  : i32 {
      %mul3A_16 = arith.constant 35 : i32
      %mul3A_17 = arith.muli %add3A, %mul3A_16 : i32
      %add3A_18 = arith.addi %mul3A_17, %scan3A_14 : i32
      %mul3A_19 = arith.constant 128 : i32
      %mul3A_20 = arith.muli %add3A_18, %mul3A_19 : i32
      %run_scoped3A = arith.constant 0 : i32
      "tpu.region"() ({
        %run_scoped3A_316 = tpu.sem_alloc : memref<!tpu.dma_semaphore, #tpu.memory_space<semaphore_mem>>
        %dma_start3A_317 = arith.constant 0 : i32
        %dma_start3A_318 = tpu.memref_slice %arg3[%run_scoped3A, %dma_start3A_317, %mul3A_20] : memref<2x12x143360xi32, #tpu.memory_space<hbm>> -> memref<1x12x128xi32, #tpu.memory_space<hbm>>
        %dma_start3A_319 = tpu.memref_squeeze %dma_start3A_318 : memref<1x12x128xi32, #tpu.memory_space<hbm>> -> memref<12x128xi32, #tpu.memory_space<hbm>>
        %dma_start3A_320 = arith.constant 0 : i32
        %dma_start3A_321 = tpu.memref_slice %arg3[%run_scoped3A, %dma_start3A_320, %mul3A_20] : memref<2x12x143360xi32, #tpu.memory_space<hbm>> -> memref<1x12x128xi32, #tpu.memory_space<hbm>>
        %dma_start3A_322 = tpu.memref_squeeze %dma_start3A_321 : memref<1x12x128xi32, #tpu.memory_space<hbm>> -> memref<12x128xi32, #tpu.memory_space<hbm>>
        tpu.enqueue_dma source(%dma_start3A_322 : memref<12x128xi32, #tpu.memory_space<hbm>>) target(%arg5 : memref<12x128xi32, #tpu.memory_space<vmem>>) target_semaphore(%run_scoped3A_316 : memref<!tpu.dma_semaphore, #tpu.memory_space<semaphore_mem>>)
        %dma_wait3A_323 = arith.constant 0 : i32
        %dma_wait3A_324 = tpu.memref_slice %arg3[%run_scoped3A, %dma_wait3A_323, %mul3A_20] : memref<2x12x143360xi32, #tpu.memory_space<hbm>> -> memref<1x12x128xi32, #tpu.memory_space<hbm>>
        %dma_wait3A_325 = tpu.memref_squeeze %dma_wait3A_324 : memref<1x12x128xi32, #tpu.memory_space<hbm>> -> memref<12x128xi32, #tpu.memory_space<hbm>>
        %dma_wait3A_326 = arith.constant 0 : i32
        %dma_wait3A_327 = tpu.memref_slice %arg3[%run_scoped3A, %dma_wait3A_326, %mul3A_20] : memref<2x12x143360xi32, #tpu.memory_space<hbm>> -> memref<1x12x128xi32, #tpu.memory_space<hbm>>
        %dma_wait3A_328 = tpu.memref_squeeze %dma_wait3A_327 : memref<1x12x128xi32, #tpu.memory_space<hbm>> -> memref<12x128xi32, #tpu.memory_space<hbm>>
        tpu.wait_dma2 semaphore(%run_scoped3A_316 : memref<!tpu.dma_semaphore, #tpu.memory_space<semaphore_mem>>) src(%dma_wait3A_328 : memref<12x128xi32, #tpu.memory_space<hbm>>) dst(%arg5 : memref<12x128xi32, #tpu.memory_space<vmem>>)
        tpu.yield
      }) : () -> ()
      %dma_start3A = arith.constant 0 : i32
      %dma_start3A_21 = arith.constant 0 : i32
      %dma_start3A_22 = arith.constant 0 : i32
      %dma_start3A_23 = arith.constant 0 : i32
      %dma_start3A_24 = tpu.memref_slice %arg6[%dma_start3A_21, %dma_start3A_22, %dma_start3A_23] : memref<12x128x32xf32, #tpu.memory_space<vmem>> -> memref<1x128x32xf32, #tpu.memory_space<vmem>>
      %dma_start3A_25 = tpu.memref_squeeze %dma_start3A_24 : memref<1x128x32xf32, #tpu.memory_space<vmem>> -> memref<128x32xf32, #tpu.memory_space<vmem>>
      %dma_start3A_26 = arith.constant 0 : i32
      %dma_start3A_27 = tpu.memref_slice %arg5[%dma_start3A, %dma_start3A_26] : memref<12x128xi32, #tpu.memory_space<vmem>> -> memref<1x128xi32, #tpu.memory_space<vmem>>
      %dma_start3A_28 = tpu.memref_squeeze %dma_start3A_27 : memref<1x128xi32, #tpu.memory_space<vmem>> -> memref<128xi32, #tpu.memory_space<vmem>>
      %dma_start3A_29 = arith.constant 0 : i32
      %dma_start3A_30 = arith.constant 0 : i32
      %dma_start3A_31 = tpu.memref_slice %arg2[%dma_start3A_29, %dma_start3A_30] : memref<1966080x32xf32, #tpu.memory_space<hbm>> -> memref<1966080x32xf32, #tpu.memory_space<hbm>>
      tpu.enqueue_indirect_dma source(%dma_start3A_31 : memref<1966080x32xf32, #tpu.memory_space<hbm>>) target(%dma_start3A_25 : memref<128x32xf32, #tpu.memory_space<vmem>>) offsets(%dma_start3A_28 : memref<128xi32, #tpu.memory_space<vmem>>) semaphore(%arg8 : memref<!tpu.dma_semaphore, #tpu.memory_space<semaphore_mem>>)
      %dma_start3A_32 = arith.constant 1 : i32
      %dma_start3A_33 = arith.constant 1 : i32
      %dma_start3A_34 = arith.constant 0 : i32
      %dma_start3A_35 = arith.constant 0 : i32
      %dma_start3A_36 = tpu.memref_slice %arg6[%dma_start3A_33, %dma_start3A_34, %dma_start3A_35] : memref<12x128x32xf32, #tpu.memory_space<vmem>> -> memref<1x128x32xf32, #tpu.memory_space<vmem>>
      %dma_start3A_37 = tpu.memref_squeeze %dma_start3A_36 : memref<1x128x32xf32, #tpu.memory_space<vmem>> -> memref<128x32xf32, #tpu.memory_space<vmem>>
      %dma_start3A_38 = arith.constant 0 : i32
      %dma_start3A_39 = tpu.memref_slice %arg5[%dma_start3A_32, %dma_start3A_38] : memref<12x128xi32, #tpu.memory_space<vmem>> -> memref<1x128xi32, #tpu.memory_space<vmem>>
      %dma_start3A_40 = tpu.memref_squeeze %dma_start3A_39 : memref<1x128xi32, #tpu.memory_space<vmem>> -> memref<128xi32, #tpu.memory_space<vmem>>
      %dma_start3A_41 = arith.constant 0 : i32
      %dma_start3A_42 = arith.constant 0 : i32
      %dma_start3A_43 = tpu.memref_slice %arg2[%dma_start3A_41, %dma_start3A_42] : memref<1966080x32xf32, #tpu.memory_space<hbm>> -> memref<1966080x32xf32, #tpu.memory_space<hbm>>
      tpu.enqueue_indirect_dma source(%dma_start3A_43 : memref<1966080x32xf32, #tpu.memory_space<hbm>>) target(%dma_start3A_37 : memref<128x32xf32, #tpu.memory_space<vmem>>) offsets(%dma_start3A_40 : memref<128xi32, #tpu.memory_space<vmem>>) semaphore(%arg8 : memref<!tpu.dma_semaphore, #tpu.memory_space<semaphore_mem>>)
      %dma_start3A_44 = arith.constant 2 : i32
      %dma_start3A_45 = arith.constant 2 : i32
      %dma_start3A_46 = arith.constant 0 : i32
      %dma_start3A_47 = arith.constant 0 : i32
      %dma_start3A_48 = tpu.memref_slice %arg6[%dma_start3A_45, %dma_start3A_46, %dma_start3A_47] : memref<12x128x32xf32, #tpu.memory_space<vmem>> -> memref<1x128x32xf32, #tpu.memory_space<vmem>>
      %dma_start3A_49 = tpu.memref_squeeze %dma_start3A_48 : memref<1x128x32xf32, #tpu.memory_space<vmem>> -> memref<128x32xf32, #tpu.memory_space<vmem>>
      %dma_start3A_50 = arith.constant 0 : i32
      %dma_start3A_51 = tpu.memref_slice %arg5[%dma_start3A_44, %dma_start3A_50] : memref<12x128xi32, #tpu.memory_space<vmem>> -> memref<1x128xi32, #tpu.memory_space<vmem>>
      %dma_start3A_52 = tpu.memref_squeeze %dma_start3A_51 : memref<1x128xi32, #tpu.memory_space<vmem>> -> memref<128xi32, #tpu.memory_space<vmem>>
      %dma_start3A_53 = arith.constant 0 : i32
      %dma_start3A_54 = arith.constant 0 : i32
      %dma_start3A_55 = tpu.memref_slice %arg2[%dma_start3A_53, %dma_start3A_54] : memref<1966080x32xf32, #tpu.memory_space<hbm>> -> memref<1966080x32xf32, #tpu.memory_space<hbm>>
      tpu.enqueue_indirect_dma source(%dma_start3A_55 : memref<1966080x32xf32, #tpu.memory_space<hbm>>) target(%dma_start3A_49 : memref<128x32xf32, #tpu.memory_space<vmem>>) offsets(%dma_start3A_52 : memref<128xi32, #tpu.memory_space<vmem>>) semaphore(%arg8 : memref<!tpu.dma_semaphore, #tpu.memory_space<semaphore_mem>>)
      %dma_start3A_56 = arith.constant 3 : i32
      %dma_start3A_57 = arith.constant 3 : i32
      %dma_start3A_58 = arith.constant 0 : i32
      %dma_start3A_59 = arith.constant 0 : i32
      %dma_start3A_60 = tpu.memref_slice %arg6[%dma_start3A_57, %dma_start3A_58, %dma_start3A_59] : memref<12x128x32xf32, #tpu.memory_space<vmem>> -> memref<1x128x32xf32, #tpu.memory_space<vmem>>
      %dma_start3A_61 = tpu.memref_squeeze %dma_start3A_60 : memref<1x128x32xf32, #tpu.memory_space<vmem>> -> memref<128x32xf32, #tpu.memory_space<vmem>>
      %dma_start3A_62 = arith.constant 0 : i32
      %dma_start3A_63 = tpu.memref_slice %arg5[%dma_start3A_56, %dma_start3A_62] : memref<12x128xi32, #tpu.memory_space<vmem>> -> memref<1x128xi32, #tpu.memory_space<vmem>>
      %dma_start3A_64 = tpu.memref_squeeze %dma_start3A_63 : memref<1x128xi32, #tpu.memory_space<vmem>> -> memref<128xi32, #tpu.memory_space<vmem>>
      %dma_start3A_65 = arith.constant 0 : i32
      %dma_start3A_66 = arith.constant 0 : i32
      %dma_start3A_67 = tpu.memref_slice %arg2[%dma_start3A_65, %dma_start3A_66] : memref<1966080x32xf32, #tpu.memory_space<hbm>> -> memref<1966080x32xf32, #tpu.memory_space<hbm>>
      tpu.enqueue_indirect_dma source(%dma_start3A_67 : memref<1966080x32xf32, #tpu.memory_space<hbm>>) target(%dma_start3A_61 : memref<128x32xf32, #tpu.memory_space<vmem>>) offsets(%dma_start3A_64 : memref<128xi32, #tpu.memory_space<vmem>>) semaphore(%arg8 : memref<!tpu.dma_semaphore, #tpu.memory_space<semaphore_mem>>)
      %dma_start3A_68 = arith.constant 4 : i32
      %dma_start3A_69 = arith.constant 4 : i32
      %dma_start3A_70 = arith.constant 0 : i32
      %dma_start3A_71 = arith.constant 0 : i32
      %dma_start3A_72 = tpu.memref_slice %arg6[%dma_start3A_69, %dma_start3A_70, %dma_start3A_71] : memref<12x128x32xf32, #tpu.memory_space<vmem>> -> memref<1x128x32xf32, #tpu.memory_space<vmem>>
      %dma_start3A_73 = tpu.memref_squeeze %dma_start3A_72 : memref<1x128x32xf32, #tpu.memory_space<vmem>> -> memref<128x32xf32, #tpu.memory_space<vmem>>
      %dma_start3A_74 = arith.constant 0 : i32
      %dma_start3A_75 = tpu.memref_slice %arg5[%dma_start3A_68, %dma_start3A_74] : memref<12x128xi32, #tpu.memory_space<vmem>> -> memref<1x128xi32, #tpu.memory_space<vmem>>
      %dma_start3A_76 = tpu.memref_squeeze %dma_start3A_75 : memref<1x128xi32, #tpu.memory_space<vmem>> -> memref<128xi32, #tpu.memory_space<vmem>>
      %dma_start3A_77 = arith.constant 0 : i32
      %dma_start3A_78 = arith.constant 0 : i32
      %dma_start3A_79 = tpu.memref_slice %arg2[%dma_start3A_77, %dma_start3A_78] : memref<1966080x32xf32, #tpu.memory_space<hbm>> -> memref<1966080x32xf32, #tpu.memory_space<hbm>>
      tpu.enqueue_indirect_dma source(%dma_start3A_79 : memref<1966080x32xf32, #tpu.memory_space<hbm>>) target(%dma_start3A_73 : memref<128x32xf32, #tpu.memory_space<vmem>>) offsets(%dma_start3A_76 : memref<128xi32, #tpu.memory_space<vmem>>) semaphore(%arg8 : memref<!tpu.dma_semaphore, #tpu.memory_space<semaphore_mem>>)
      %dma_start3A_80 = arith.constant 5 : i32
      %dma_start3A_81 = arith.constant 5 : i32
      %dma_start3A_82 = arith.constant 0 : i32
      %dma_start3A_83 = arith.constant 0 : i32
      %dma_start3A_84 = tpu.memref_slice %arg6[%dma_start3A_81, %dma_start3A_82, %dma_start3A_83] : memref<12x128x32xf32, #tpu.memory_space<vmem>> -> memref<1x128x32xf32, #tpu.memory_space<vmem>>
      %dma_start3A_85 = tpu.memref_squeeze %dma_start3A_84 : memref<1x128x32xf32, #tpu.memory_space<vmem>> -> memref<128x32xf32, #tpu.memory_space<vmem>>
      %dma_start3A_86 = arith.constant 0 : i32
      %dma_start3A_87 = tpu.memref_slice %arg5[%dma_start3A_80, %dma_start3A_86] : memref<12x128xi32, #tpu.memory_space<vmem>> -> memref<1x128xi32, #tpu.memory_space<vmem>>
      %dma_start3A_88 = tpu.memref_squeeze %dma_start3A_87 : memref<1x128xi32, #tpu.memory_space<vmem>> -> memref<128xi32, #tpu.memory_space<vmem>>
      %dma_start3A_89 = arith.constant 0 : i32
      %dma_start3A_90 = arith.constant 0 : i32
      %dma_start3A_91 = tpu.memref_slice %arg2[%dma_start3A_89, %dma_start3A_90] : memref<1966080x32xf32, #tpu.memory_space<hbm>> -> memref<1966080x32xf32, #tpu.memory_space<hbm>>
      tpu.enqueue_indirect_dma source(%dma_start3A_91 : memref<1966080x32xf32, #tpu.memory_space<hbm>>) target(%dma_start3A_85 : memref<128x32xf32, #tpu.memory_space<vmem>>) offsets(%dma_start3A_88 : memref<128xi32, #tpu.memory_space<vmem>>) semaphore(%arg8 : memref<!tpu.dma_semaphore, #tpu.memory_space<semaphore_mem>>)
      %dma_start3A_92 = arith.constant 6 : i32
      %dma_start3A_93 = arith.constant 6 : i32
      %dma_start3A_94 = arith.constant 0 : i32
      %dma_start3A_95 = arith.constant 0 : i32
      %dma_start3A_96 = tpu.memref_slice %arg6[%dma_start3A_93, %dma_start3A_94, %dma_start3A_95] : memref<12x128x32xf32, #tpu.memory_space<vmem>> -> memref<1x128x32xf32, #tpu.memory_space<vmem>>
      %dma_start3A_97 = tpu.memref_squeeze %dma_start3A_96 : memref<1x128x32xf32, #tpu.memory_space<vmem>> -> memref<128x32xf32, #tpu.memory_space<vmem>>
      %dma_start3A_98 = arith.constant 0 : i32
      %dma_start3A_99 = tpu.memref_slice %arg5[%dma_start3A_92, %dma_start3A_98] : memref<12x128xi32, #tpu.memory_space<vmem>> -> memref<1x128xi32, #tpu.memory_space<vmem>>
      %dma_start3A_100 = tpu.memref_squeeze %dma_start3A_99 : memref<1x128xi32, #tpu.memory_space<vmem>> -> memref<128xi32, #tpu.memory_space<vmem>>
      %dma_start3A_101 = arith.constant 0 : i32
      %dma_start3A_102 = arith.constant 0 : i32
      %dma_start3A_103 = tpu.memref_slice %arg2[%dma_start3A_101, %dma_start3A_102] : memref<1966080x32xf32, #tpu.memory_space<hbm>> -> memref<1966080x32xf32, #tpu.memory_space<hbm>>
      tpu.enqueue_indirect_dma source(%dma_start3A_103 : memref<1966080x32xf32, #tpu.memory_space<hbm>>) target(%dma_start3A_97 : memref<128x32xf32, #tpu.memory_space<vmem>>) offsets(%dma_start3A_100 : memref<128xi32, #tpu.memory_space<vmem>>) semaphore(%arg8 : memref<!tpu.dma_semaphore, #tpu.memory_space<semaphore_mem>>)
      %dma_start3A_104 = arith.constant 7 : i32
      %dma_start3A_105 = arith.constant 7 : i32
      %dma_start3A_106 = arith.constant 0 : i32
      %dma_start3A_107 = arith.constant 0 : i32
      %dma_start3A_108 = tpu.memref_slice %arg6[%dma_start3A_105, %dma_start3A_106, %dma_start3A_107] : memref<12x128x32xf32, #tpu.memory_space<vmem>> -> memref<1x128x32xf32, #tpu.memory_space<vmem>>
      %dma_start3A_109 = tpu.memref_squeeze %dma_start3A_108 : memref<1x128x32xf32, #tpu.memory_space<vmem>> -> memref<128x32xf32, #tpu.memory_space<vmem>>
      %dma_start3A_110 = arith.constant 0 : i32
      %dma_start3A_111 = tpu.memref_slice %arg5[%dma_start3A_104, %dma_start3A_110] : memref<12x128xi32, #tpu.memory_space<vmem>> -> memref<1x128xi32, #tpu.memory_space<vmem>>
      %dma_start3A_112 = tpu.memref_squeeze %dma_start3A_111 : memref<1x128xi32, #tpu.memory_space<vmem>> -> memref<128xi32, #tpu.memory_space<vmem>>
      %dma_start3A_113 = arith.constant 0 : i32
      %dma_start3A_114 = arith.constant 0 : i32
      %dma_start3A_115 = tpu.memref_slice %arg2[%dma_start3A_113, %dma_start3A_114] : memref<1966080x32xf32, #tpu.memory_space<hbm>> -> memref<1966080x32xf32, #tpu.memory_space<hbm>>
      tpu.enqueue_indirect_dma source(%dma_start3A_115 : memref<1966080x32xf32, #tpu.memory_space<hbm>>) target(%dma_start3A_109 : memref<128x32xf32, #tpu.memory_space<vmem>>) offsets(%dma_start3A_112 : memref<128xi32, #tpu.memory_space<vmem>>) semaphore(%arg8 : memref<!tpu.dma_semaphore, #tpu.memory_space<semaphore_mem>>)
      %dma_start3A_116 = arith.constant 8 : i32
      %dma_start3A_117 = arith.constant 8 : i32
      %dma_start3A_118 = arith.constant 0 : i32
      %dma_start3A_119 = arith.constant 0 : i32
      %dma_start3A_120 = tpu.memref_slice %arg6[%dma_start3A_117, %dma_start3A_118, %dma_start3A_119] : memref<12x128x32xf32, #tpu.memory_space<vmem>> -> memref<1x128x32xf32, #tpu.memory_space<vmem>>
      %dma_start3A_121 = tpu.memref_squeeze %dma_start3A_120 : memref<1x128x32xf32, #tpu.memory_space<vmem>> -> memref<128x32xf32, #tpu.memory_space<vmem>>
      %dma_start3A_122 = arith.constant 0 : i32
      %dma_start3A_123 = tpu.memref_slice %arg5[%dma_start3A_116, %dma_start3A_122] : memref<12x128xi32, #tpu.memory_space<vmem>> -> memref<1x128xi32, #tpu.memory_space<vmem>>
      %dma_start3A_124 = tpu.memref_squeeze %dma_start3A_123 : memref<1x128xi32, #tpu.memory_space<vmem>> -> memref<128xi32, #tpu.memory_space<vmem>>
      %dma_start3A_125 = arith.constant 0 : i32
      %dma_start3A_126 = arith.constant 0 : i32
      %dma_start3A_127 = tpu.memref_slice %arg2[%dma_start3A_125, %dma_start3A_126] : memref<1966080x32xf32, #tpu.memory_space<hbm>> -> memref<1966080x32xf32, #tpu.memory_space<hbm>>
      tpu.enqueue_indirect_dma source(%dma_start3A_127 : memref<1966080x32xf32, #tpu.memory_space<hbm>>) target(%dma_start3A_121 : memref<128x32xf32, #tpu.memory_space<vmem>>) offsets(%dma_start3A_124 : memref<128xi32, #tpu.memory_space<vmem>>) semaphore(%arg8 : memref<!tpu.dma_semaphore, #tpu.memory_space<semaphore_mem>>)
      %dma_start3A_128 = arith.constant 9 : i32
      %dma_start3A_129 = arith.constant 9 : i32
      %dma_start3A_130 = arith.constant 0 : i32
      %dma_start3A_131 = arith.constant 0 : i32
      %dma_start3A_132 = tpu.memref_slice %arg6[%dma_start3A_129, %dma_start3A_130, %dma_start3A_131] : memref<12x128x32xf32, #tpu.memory_space<vmem>> -> memref<1x128x32xf32, #tpu.memory_space<vmem>>
      %dma_start3A_133 = tpu.memref_squeeze %dma_start3A_132 : memref<1x128x32xf32, #tpu.memory_space<vmem>> -> memref<128x32xf32, #tpu.memory_space<vmem>>
      %dma_start3A_134 = arith.constant 0 : i32
      %dma_start3A_135 = tpu.memref_slice %arg5[%dma_start3A_128, %dma_start3A_134] : memref<12x128xi32, #tpu.memory_space<vmem>> -> memref<1x128xi32, #tpu.memory_space<vmem>>
      %dma_start3A_136 = tpu.memref_squeeze %dma_start3A_135 : memref<1x128xi32, #tpu.memory_space<vmem>> -> memref<128xi32, #tpu.memory_space<vmem>>
      %dma_start3A_137 = arith.constant 0 : i32
      %dma_start3A_138 = arith.constant 0 : i32
      %dma_start3A_139 = tpu.memref_slice %arg2[%dma_start3A_137, %dma_start3A_138] : memref<1966080x32xf32, #tpu.memory_space<hbm>> -> memref<1966080x32xf32, #tpu.memory_space<hbm>>
      tpu.enqueue_indirect_dma source(%dma_start3A_139 : memref<1966080x32xf32, #tpu.memory_space<hbm>>) target(%dma_start3A_133 : memref<128x32xf32, #tpu.memory_space<vmem>>) offsets(%dma_start3A_136 : memref<128xi32, #tpu.memory_space<vmem>>) semaphore(%arg8 : memref<!tpu.dma_semaphore, #tpu.memory_space<semaphore_mem>>)
      %dma_start3A_140 = arith.constant 10 : i32
      %dma_start3A_141 = arith.constant 10 : i32
      %dma_start3A_142 = arith.constant 0 : i32
      %dma_start3A_143 = arith.constant 0 : i32
      %dma_start3A_144 = tpu.memref_slice %arg6[%dma_start3A_141, %dma_start3A_142, %dma_start3A_143] : memref<12x128x32xf32, #tpu.memory_space<vmem>> -> memref<1x128x32xf32, #tpu.memory_space<vmem>>
      %dma_start3A_145 = tpu.memref_squeeze %dma_start3A_144 : memref<1x128x32xf32, #tpu.memory_space<vmem>> -> memref<128x32xf32, #tpu.memory_space<vmem>>
      %dma_start3A_146 = arith.constant 0 : i32
      %dma_start3A_147 = tpu.memref_slice %arg5[%dma_start3A_140, %dma_start3A_146] : memref<12x128xi32, #tpu.memory_space<vmem>> -> memref<1x128xi32, #tpu.memory_space<vmem>>
      %dma_start3A_148 = tpu.memref_squeeze %dma_start3A_147 : memref<1x128xi32, #tpu.memory_space<vmem>> -> memref<128xi32, #tpu.memory_space<vmem>>
      %dma_start3A_149 = arith.constant 0 : i32
      %dma_start3A_150 = arith.constant 0 : i32
      %dma_start3A_151 = tpu.memref_slice %arg2[%dma_start3A_149, %dma_start3A_150] : memref<1966080x32xf32, #tpu.memory_space<hbm>> -> memref<1966080x32xf32, #tpu.memory_space<hbm>>
      tpu.enqueue_indirect_dma source(%dma_start3A_151 : memref<1966080x32xf32, #tpu.memory_space<hbm>>) target(%dma_start3A_145 : memref<128x32xf32, #tpu.memory_space<vmem>>) offsets(%dma_start3A_148 : memref<128xi32, #tpu.memory_space<vmem>>) semaphore(%arg8 : memref<!tpu.dma_semaphore, #tpu.memory_space<semaphore_mem>>)
      %dma_start3A_152 = arith.constant 11 : i32
      %dma_start3A_153 = arith.constant 11 : i32
      %dma_start3A_154 = arith.constant 0 : i32
      %dma_start3A_155 = arith.constant 0 : i32
      %dma_start3A_156 = tpu.memref_slice %arg6[%dma_start3A_153, %dma_start3A_154, %dma_start3A_155] : memref<12x128x32xf32, #tpu.memory_space<vmem>> -> memref<1x128x32xf32, #tpu.memory_space<vmem>>
      %dma_start3A_157 = tpu.memref_squeeze %dma_start3A_156 : memref<1x128x32xf32, #tpu.memory_space<vmem>> -> memref<128x32xf32, #tpu.memory_space<vmem>>
      %dma_start3A_158 = arith.constant 0 : i32
      %dma_start3A_159 = tpu.memref_slice %arg5[%dma_start3A_152, %dma_start3A_158] : memref<12x128xi32, #tpu.memory_space<vmem>> -> memref<1x128xi32, #tpu.memory_space<vmem>>
      %dma_start3A_160 = tpu.memref_squeeze %dma_start3A_159 : memref<1x128xi32, #tpu.memory_space<vmem>> -> memref<128xi32, #tpu.memory_space<vmem>>
      %dma_start3A_161 = arith.constant 0 : i32
      %dma_start3A_162 = arith.constant 0 : i32
      %dma_start3A_163 = tpu.memref_slice %arg2[%dma_start3A_161, %dma_start3A_162] : memref<1966080x32xf32, #tpu.memory_space<hbm>> -> memref<1966080x32xf32, #tpu.memory_space<hbm>>
      tpu.enqueue_indirect_dma source(%dma_start3A_163 : memref<1966080x32xf32, #tpu.memory_space<hbm>>) target(%dma_start3A_157 : memref<128x32xf32, #tpu.memory_space<vmem>>) offsets(%dma_start3A_160 : memref<128xi32, #tpu.memory_space<vmem>>) semaphore(%arg8 : memref<!tpu.dma_semaphore, #tpu.memory_space<semaphore_mem>>)
      %dma_wait3A = arith.constant 0 : i32
      %dma_wait3A_164 = arith.constant 0 : i32
      %dma_wait3A_165 = arith.constant 0 : i32
      %dma_wait3A_166 = arith.constant 0 : i32
      %dma_wait3A_167 = tpu.memref_slice %arg6[%dma_wait3A_164, %dma_wait3A_165, %dma_wait3A_166] : memref<12x128x32xf32, #tpu.memory_space<vmem>> -> memref<1x128x32xf32, #tpu.memory_space<vmem>>
      %dma_wait3A_168 = tpu.memref_squeeze %dma_wait3A_167 : memref<1x128x32xf32, #tpu.memory_space<vmem>> -> memref<128x32xf32, #tpu.memory_space<vmem>>
      %dma_wait3A_169 = arith.constant 0 : i32
      %dma_wait3A_170 = tpu.memref_slice %arg5[%dma_wait3A, %dma_wait3A_169] : memref<12x128xi32, #tpu.memory_space<vmem>> -> memref<1x128xi32, #tpu.memory_space<vmem>>
      %dma_wait3A_171 = tpu.memref_squeeze %dma_wait3A_170 : memref<1x128xi32, #tpu.memory_space<vmem>> -> memref<128xi32, #tpu.memory_space<vmem>>
      %dma_wait3A_172 = arith.constant 0 : i32
      %dma_wait3A_173 = arith.constant 0 : i32
      %dma_wait3A_174 = tpu.memref_slice %arg2[%dma_wait3A_172, %dma_wait3A_173] : memref<1966080x32xf32, #tpu.memory_space<hbm>> -> memref<1966080x32xf32, #tpu.memory_space<hbm>>
      tpu.wait_indirect_dma semaphore(%arg8 : memref<!tpu.dma_semaphore, #tpu.memory_space<semaphore_mem>>) src(%dma_wait3A_174 : memref<1966080x32xf32, #tpu.memory_space<hbm>>) dst(%dma_wait3A_168 : memref<128x32xf32, #tpu.memory_space<vmem>>)
      %dma_wait3A_175 = arith.constant 1 : i32
      %dma_wait3A_176 = arith.constant 1 : i32
      %dma_wait3A_177 = arith.constant 0 : i32
      %dma_wait3A_178 = arith.constant 0 : i32
      %dma_wait3A_179 = tpu.memref_slice %arg6[%dma_wait3A_176, %dma_wait3A_177, %dma_wait3A_178] : memref<12x128x32xf32, #tpu.memory_space<vmem>> -> memref<1x128x32xf32, #tpu.memory_space<vmem>>
      %dma_wait3A_180 = tpu.memref_squeeze %dma_wait3A_179 : memref<1x128x32xf32, #tpu.memory_space<vmem>> -> memref<128x32xf32, #tpu.memory_space<vmem>>
      %dma_wait3A_181 = arith.constant 0 : i32
      %dma_wait3A_182 = tpu.memref_slice %arg5[%dma_wait3A_175, %dma_wait3A_181] : memref<12x128xi32, #tpu.memory_space<vmem>> -> memref<1x128xi32, #tpu.memory_space<vmem>>
      %dma_wait3A_183 = tpu.memref_squeeze %dma_wait3A_182 : memref<1x128xi32, #tpu.memory_space<vmem>> -> memref<128xi32, #tpu.memory_space<vmem>>
      %dma_wait3A_184 = arith.constant 0 : i32
      %dma_wait3A_185 = arith.constant 0 : i32
      %dma_wait3A_186 = tpu.memref_slice %arg2[%dma_wait3A_184, %dma_wait3A_185] : memref<1966080x32xf32, #tpu.memory_space<hbm>> -> memref<1966080x32xf32, #tpu.memory_space<hbm>>
      tpu.wait_indirect_dma semaphore(%arg8 : memref<!tpu.dma_semaphore, #tpu.memory_space<semaphore_mem>>) src(%dma_wait3A_186 : memref<1966080x32xf32, #tpu.memory_space<hbm>>) dst(%dma_wait3A_180 : memref<128x32xf32, #tpu.memory_space<vmem>>)
      %dma_wait3A_187 = arith.constant 2 : i32
      %dma_wait3A_188 = arith.constant 2 : i32
      %dma_wait3A_189 = arith.constant 0 : i32
      %dma_wait3A_190 = arith.constant 0 : i32
      %dma_wait3A_191 = tpu.memref_slice %arg6[%dma_wait3A_188, %dma_wait3A_189, %dma_wait3A_190] : memref<12x128x32xf32, #tpu.memory_space<vmem>> -> memref<1x128x32xf32, #tpu.memory_space<vmem>>
      %dma_wait3A_192 = tpu.memref_squeeze %dma_wait3A_191 : memref<1x128x32xf32, #tpu.memory_space<vmem>> -> memref<128x32xf32, #tpu.memory_space<vmem>>
      %dma_wait3A_193 = arith.constant 0 : i32
      %dma_wait3A_194 = tpu.memref_slice %arg5[%dma_wait3A_187, %dma_wait3A_193] : memref<12x128xi32, #tpu.memory_space<vmem>> -> memref<1x128xi32, #tpu.memory_space<vmem>>
      %dma_wait3A_195 = tpu.memref_squeeze %dma_wait3A_194 : memref<1x128xi32, #tpu.memory_space<vmem>> -> memref<128xi32, #tpu.memory_space<vmem>>
      %dma_wait3A_196 = arith.constant 0 : i32
      %dma_wait3A_197 = arith.constant 0 : i32
      %dma_wait3A_198 = tpu.memref_slice %arg2[%dma_wait3A_196, %dma_wait3A_197] : memref<1966080x32xf32, #tpu.memory_space<hbm>> -> memref<1966080x32xf32, #tpu.memory_space<hbm>>
      tpu.wait_indirect_dma semaphore(%arg8 : memref<!tpu.dma_semaphore, #tpu.memory_space<semaphore_mem>>) src(%dma_wait3A_198 : memref<1966080x32xf32, #tpu.memory_space<hbm>>) dst(%dma_wait3A_192 : memref<128x32xf32, #tpu.memory_space<vmem>>)
      %dma_wait3A_199 = arith.constant 3 : i32
      %dma_wait3A_200 = arith.constant 3 : i32
      %dma_wait3A_201 = arith.constant 0 : i32
      %dma_wait3A_202 = arith.constant 0 : i32
      %dma_wait3A_203 = tpu.memref_slice %arg6[%dma_wait3A_200, %dma_wait3A_201, %dma_wait3A_202] : memref<12x128x32xf32, #tpu.memory_space<vmem>> -> memref<1x128x32xf32, #tpu.memory_space<vmem>>
      %dma_wait3A_204 = tpu.memref_squeeze %dma_wait3A_203 : memref<1x128x32xf32, #tpu.memory_space<vmem>> -> memref<128x32xf32, #tpu.memory_space<vmem>>
      %dma_wait3A_205 = arith.constant 0 : i32
      %dma_wait3A_206 = tpu.memref_slice %arg5[%dma_wait3A_199, %dma_wait3A_205] : memref<12x128xi32, #tpu.memory_space<vmem>> -> memref<1x128xi32, #tpu.memory_space<vmem>>
      %dma_wait3A_207 = tpu.memref_squeeze %dma_wait3A_206 : memref<1x128xi32, #tpu.memory_space<vmem>> -> memref<128xi32, #tpu.memory_space<vmem>>
      %dma_wait3A_208 = arith.constant 0 : i32
      %dma_wait3A_209 = arith.constant 0 : i32
      %dma_wait3A_210 = tpu.memref_slice %arg2[%dma_wait3A_208, %dma_wait3A_209] : memref<1966080x32xf32, #tpu.memory_space<hbm>> -> memref<1966080x32xf32, #tpu.memory_space<hbm>>
      tpu.wait_indirect_dma semaphore(%arg8 : memref<!tpu.dma_semaphore, #tpu.memory_space<semaphore_mem>>) src(%dma_wait3A_210 : memref<1966080x32xf32, #tpu.memory_space<hbm>>) dst(%dma_wait3A_204 : memref<128x32xf32, #tpu.memory_space<vmem>>)
      %dma_wait3A_211 = arith.constant 4 : i32
      %dma_wait3A_212 = arith.constant 4 : i32
      %dma_wait3A_213 = arith.constant 0 : i32
      %dma_wait3A_214 = arith.constant 0 : i32
      %dma_wait3A_215 = tpu.memref_slice %arg6[%dma_wait3A_212, %dma_wait3A_213, %dma_wait3A_214] : memref<12x128x32xf32, #tpu.memory_space<vmem>> -> memref<1x128x32xf32, #tpu.memory_space<vmem>>
      %dma_wait3A_216 = tpu.memref_squeeze %dma_wait3A_215 : memref<1x128x32xf32, #tpu.memory_space<vmem>> -> memref<128x32xf32, #tpu.memory_space<vmem>>
      %dma_wait3A_217 = arith.constant 0 : i32
      %dma_wait3A_218 = tpu.memref_slice %arg5[%dma_wait3A_211, %dma_wait3A_217] : memref<12x128xi32, #tpu.memory_space<vmem>> -> memref<1x128xi32, #tpu.memory_space<vmem>>
      %dma_wait3A_219 = tpu.memref_squeeze %dma_wait3A_218 : memref<1x128xi32, #tpu.memory_space<vmem>> -> memref<128xi32, #tpu.memory_space<vmem>>
      %dma_wait3A_220 = arith.constant 0 : i32
      %dma_wait3A_221 = arith.constant 0 : i32
      %dma_wait3A_222 = tpu.memref_slice %arg2[%dma_wait3A_220, %dma_wait3A_221] : memref<1966080x32xf32, #tpu.memory_space<hbm>> -> memref<1966080x32xf32, #tpu.memory_space<hbm>>
      tpu.wait_indirect_dma semaphore(%arg8 : memref<!tpu.dma_semaphore, #tpu.memory_space<semaphore_mem>>) src(%dma_wait3A_222 : memref<1966080x32xf32, #tpu.memory_space<hbm>>) dst(%dma_wait3A_216 : memref<128x32xf32, #tpu.memory_space<vmem>>)
      %dma_wait3A_223 = arith.constant 5 : i32
      %dma_wait3A_224 = arith.constant 5 : i32
      %dma_wait3A_225 = arith.constant 0 : i32
      %dma_wait3A_226 = arith.constant 0 : i32
      %dma_wait3A_227 = tpu.memref_slice %arg6[%dma_wait3A_224, %dma_wait3A_225, %dma_wait3A_226] : memref<12x128x32xf32, #tpu.memory_space<vmem>> -> memref<1x128x32xf32, #tpu.memory_space<vmem>>
      %dma_wait3A_228 = tpu.memref_squeeze %dma_wait3A_227 : memref<1x128x32xf32, #tpu.memory_space<vmem>> -> memref<128x32xf32, #tpu.memory_space<vmem>>
      %dma_wait3A_229 = arith.constant 0 : i32
      %dma_wait3A_230 = tpu.memref_slice %arg5[%dma_wait3A_223, %dma_wait3A_229] : memref<12x128xi32, #tpu.memory_space<vmem>> -> memref<1x128xi32, #tpu.memory_space<vmem>>
      %dma_wait3A_231 = tpu.memref_squeeze %dma_wait3A_230 : memref<1x128xi32, #tpu.memory_space<vmem>> -> memref<128xi32, #tpu.memory_space<vmem>>
      %dma_wait3A_232 = arith.constant 0 : i32
      %dma_wait3A_233 = arith.constant 0 : i32
      %dma_wait3A_234 = tpu.memref_slice %arg2[%dma_wait3A_232, %dma_wait3A_233] : memref<1966080x32xf32, #tpu.memory_space<hbm>> -> memref<1966080x32xf32, #tpu.memory_space<hbm>>
      tpu.wait_indirect_dma semaphore(%arg8 : memref<!tpu.dma_semaphore, #tpu.memory_space<semaphore_mem>>) src(%dma_wait3A_234 : memref<1966080x32xf32, #tpu.memory_space<hbm>>) dst(%dma_wait3A_228 : memref<128x32xf32, #tpu.memory_space<vmem>>)
      %dma_wait3A_235 = arith.constant 6 : i32
      %dma_wait3A_236 = arith.constant 6 : i32
      %dma_wait3A_237 = arith.constant 0 : i32
      %dma_wait3A_238 = arith.constant 0 : i32
      %dma_wait3A_239 = tpu.memref_slice %arg6[%dma_wait3A_236, %dma_wait3A_237, %dma_wait3A_238] : memref<12x128x32xf32, #tpu.memory_space<vmem>> -> memref<1x128x32xf32, #tpu.memory_space<vmem>>
      %dma_wait3A_240 = tpu.memref_squeeze %dma_wait3A_239 : memref<1x128x32xf32, #tpu.memory_space<vmem>> -> memref<128x32xf32, #tpu.memory_space<vmem>>
      %dma_wait3A_241 = arith.constant 0 : i32
      %dma_wait3A_242 = tpu.memref_slice %arg5[%dma_wait3A_235, %dma_wait3A_241] : memref<12x128xi32, #tpu.memory_space<vmem>> -> memref<1x128xi32, #tpu.memory_space<vmem>>
      %dma_wait3A_243 = tpu.memref_squeeze %dma_wait3A_242 : memref<1x128xi32, #tpu.memory_space<vmem>> -> memref<128xi32, #tpu.memory_space<vmem>>
      %dma_wait3A_244 = arith.constant 0 : i32
      %dma_wait3A_245 = arith.constant 0 : i32
      %dma_wait3A_246 = tpu.memref_slice %arg2[%dma_wait3A_244, %dma_wait3A_245] : memref<1966080x32xf32, #tpu.memory_space<hbm>> -> memref<1966080x32xf32, #tpu.memory_space<hbm>>
      tpu.wait_indirect_dma semaphore(%arg8 : memref<!tpu.dma_semaphore, #tpu.memory_space<semaphore_mem>>) src(%dma_wait3A_246 : memref<1966080x32xf32, #tpu.memory_space<hbm>>) dst(%dma_wait3A_240 : memref<128x32xf32, #tpu.memory_space<vmem>>)
      %dma_wait3A_247 = arith.constant 7 : i32
      %dma_wait3A_248 = arith.constant 7 : i32
      %dma_wait3A_249 = arith.constant 0 : i32
      %dma_wait3A_250 = arith.constant 0 : i32
      %dma_wait3A_251 = tpu.memref_slice %arg6[%dma_wait3A_248, %dma_wait3A_249, %dma_wait3A_250] : memref<12x128x32xf32, #tpu.memory_space<vmem>> -> memref<1x128x32xf32, #tpu.memory_space<vmem>>
      %dma_wait3A_252 = tpu.memref_squeeze %dma_wait3A_251 : memref<1x128x32xf32, #tpu.memory_space<vmem>> -> memref<128x32xf32, #tpu.memory_space<vmem>>
      %dma_wait3A_253 = arith.constant 0 : i32
      %dma_wait3A_254 = tpu.memref_slice %arg5[%dma_wait3A_247, %dma_wait3A_253] : memref<12x128xi32, #tpu.memory_space<vmem>> -> memref<1x128xi32, #tpu.memory_space<vmem>>
      %dma_wait3A_255 = tpu.memref_squeeze %dma_wait3A_254 : memref<1x128xi32, #tpu.memory_space<vmem>> -> memref<128xi32, #tpu.memory_space<vmem>>
      %dma_wait3A_256 = arith.constant 0 : i32
      %dma_wait3A_257 = arith.constant 0 : i32
      %dma_wait3A_258 = tpu.memref_slice %arg2[%dma_wait3A_256, %dma_wait3A_257] : memref<1966080x32xf32, #tpu.memory_space<hbm>> -> memref<1966080x32xf32, #tpu.memory_space<hbm>>
      tpu.wait_indirect_dma semaphore(%arg8 : memref<!tpu.dma_semaphore, #tpu.memory_space<semaphore_mem>>) src(%dma_wait3A_258 : memref<1966080x32xf32, #tpu.memory_space<hbm>>) dst(%dma_wait3A_252 : memref<128x32xf32, #tpu.memory_space<vmem>>)
      %dma_wait3A_259 = arith.constant 8 : i32
      %dma_wait3A_260 = arith.constant 8 : i32
      %dma_wait3A_261 = arith.constant 0 : i32
      %dma_wait3A_262 = arith.constant 0 : i32
      %dma_wait3A_263 = tpu.memref_slice %arg6[%dma_wait3A_260, %dma_wait3A_261, %dma_wait3A_262] : memref<12x128x32xf32, #tpu.memory_space<vmem>> -> memref<1x128x32xf32, #tpu.memory_space<vmem>>
      %dma_wait3A_264 = tpu.memref_squeeze %dma_wait3A_263 : memref<1x128x32xf32, #tpu.memory_space<vmem>> -> memref<128x32xf32, #tpu.memory_space<vmem>>
      %dma_wait3A_265 = arith.constant 0 : i32
      %dma_wait3A_266 = tpu.memref_slice %arg5[%dma_wait3A_259, %dma_wait3A_265] : memref<12x128xi32, #tpu.memory_space<vmem>> -> memref<1x128xi32, #tpu.memory_space<vmem>>
      %dma_wait3A_267 = tpu.memref_squeeze %dma_wait3A_266 : memref<1x128xi32, #tpu.memory_space<vmem>> -> memref<128xi32, #tpu.memory_space<vmem>>
      %dma_wait3A_268 = arith.constant 0 : i32
      %dma_wait3A_269 = arith.constant 0 : i32
      %dma_wait3A_270 = tpu.memref_slice %arg2[%dma_wait3A_268, %dma_wait3A_269] : memref<1966080x32xf32, #tpu.memory_space<hbm>> -> memref<1966080x32xf32, #tpu.memory_space<hbm>>
      tpu.wait_indirect_dma semaphore(%arg8 : memref<!tpu.dma_semaphore, #tpu.memory_space<semaphore_mem>>) src(%dma_wait3A_270 : memref<1966080x32xf32, #tpu.memory_space<hbm>>) dst(%dma_wait3A_264 : memref<128x32xf32, #tpu.memory_space<vmem>>)
      %dma_wait3A_271 = arith.constant 9 : i32
      %dma_wait3A_272 = arith.constant 9 : i32
      %dma_wait3A_273 = arith.constant 0 : i32
      %dma_wait3A_274 = arith.constant 0 : i32
      %dma_wait3A_275 = tpu.memref_slice %arg6[%dma_wait3A_272, %dma_wait3A_273, %dma_wait3A_274] : memref<12x128x32xf32, #tpu.memory_space<vmem>> -> memref<1x128x32xf32, #tpu.memory_space<vmem>>
      %dma_wait3A_276 = tpu.memref_squeeze %dma_wait3A_275 : memref<1x128x32xf32, #tpu.memory_space<vmem>> -> memref<128x32xf32, #tpu.memory_space<vmem>>
      %dma_wait3A_277 = arith.constant 0 : i32
      %dma_wait3A_278 = tpu.memref_slice %arg5[%dma_wait3A_271, %dma_wait3A_277] : memref<12x128xi32, #tpu.memory_space<vmem>> -> memref<1x128xi32, #tpu.memory_space<vmem>>
      %dma_wait3A_279 = tpu.memref_squeeze %dma_wait3A_278 : memref<1x128xi32, #tpu.memory_space<vmem>> -> memref<128xi32, #tpu.memory_space<vmem>>
      %dma_wait3A_280 = arith.constant 0 : i32
      %dma_wait3A_281 = arith.constant 0 : i32
      %dma_wait3A_282 = tpu.memref_slice %arg2[%dma_wait3A_280, %dma_wait3A_281] : memref<1966080x32xf32, #tpu.memory_space<hbm>> -> memref<1966080x32xf32, #tpu.memory_space<hbm>>
      tpu.wait_indirect_dma semaphore(%arg8 : memref<!tpu.dma_semaphore, #tpu.memory_space<semaphore_mem>>) src(%dma_wait3A_282 : memref<1966080x32xf32, #tpu.memory_space<hbm>>) dst(%dma_wait3A_276 : memref<128x32xf32, #tpu.memory_space<vmem>>)
      %dma_wait3A_283 = arith.constant 10 : i32
      %dma_wait3A_284 = arith.constant 10 : i32
      %dma_wait3A_285 = arith.constant 0 : i32
      %dma_wait3A_286 = arith.constant 0 : i32
      %dma_wait3A_287 = tpu.memref_slice %arg6[%dma_wait3A_284, %dma_wait3A_285, %dma_wait3A_286] : memref<12x128x32xf32, #tpu.memory_space<vmem>> -> memref<1x128x32xf32, #tpu.memory_space<vmem>>
      %dma_wait3A_288 = tpu.memref_squeeze %dma_wait3A_287 : memref<1x128x32xf32, #tpu.memory_space<vmem>> -> memref<128x32xf32, #tpu.memory_space<vmem>>
      %dma_wait3A_289 = arith.constant 0 : i32
      %dma_wait3A_290 = tpu.memref_slice %arg5[%dma_wait3A_283, %dma_wait3A_289] : memref<12x128xi32, #tpu.memory_space<vmem>> -> memref<1x128xi32, #tpu.memory_space<vmem>>
      %dma_wait3A_291 = tpu.memref_squeeze %dma_wait3A_290 : memref<1x128xi32, #tpu.memory_space<vmem>> -> memref<128xi32, #tpu.memory_space<vmem>>
      %dma_wait3A_292 = arith.constant 0 : i32
      %dma_wait3A_293 = arith.constant 0 : i32
      %dma_wait3A_294 = tpu.memref_slice %arg2[%dma_wait3A_292, %dma_wait3A_293] : memref<1966080x32xf32, #tpu.memory_space<hbm>> -> memref<1966080x32xf32, #tpu.memory_space<hbm>>
      tpu.wait_indirect_dma semaphore(%arg8 : memref<!tpu.dma_semaphore, #tpu.memory_space<semaphore_mem>>) src(%dma_wait3A_294 : memref<1966080x32xf32, #tpu.memory_space<hbm>>) dst(%dma_wait3A_288 : memref<128x32xf32, #tpu.memory_space<vmem>>)
      %dma_wait3A_295 = arith.constant 11 : i32
      %dma_wait3A_296 = arith.constant 11 : i32
      %dma_wait3A_297 = arith.constant 0 : i32
      %dma_wait3A_298 = arith.constant 0 : i32
      %dma_wait3A_299 = tpu.memref_slice %arg6[%dma_wait3A_296, %dma_wait3A_297, %dma_wait3A_298] : memref<12x128x32xf32, #tpu.memory_space<vmem>> -> memref<1x128x32xf32, #tpu.memory_space<vmem>>
      %dma_wait3A_300 = tpu.memref_squeeze %dma_wait3A_299 : memref<1x128x32xf32, #tpu.memory_space<vmem>> -> memref<128x32xf32, #tpu.memory_space<vmem>>
      %dma_wait3A_301 = arith.constant 0 : i32
      %dma_wait3A_302 = tpu.memref_slice %arg5[%dma_wait3A_295, %dma_wait3A_301] : memref<12x128xi32, #tpu.memory_space<vmem>> -> memref<1x128xi32, #tpu.memory_space<vmem>>
      %dma_wait3A_303 = tpu.memref_squeeze %dma_wait3A_302 : memref<1x128xi32, #tpu.memory_space<vmem>> -> memref<128xi32, #tpu.memory_space<vmem>>
      %dma_wait3A_304 = arith.constant 0 : i32
      %dma_wait3A_305 = arith.constant 0 : i32
      %dma_wait3A_306 = tpu.memref_slice %arg2[%dma_wait3A_304, %dma_wait3A_305] : memref<1966080x32xf32, #tpu.memory_space<hbm>> -> memref<1966080x32xf32, #tpu.memory_space<hbm>>
      tpu.wait_indirect_dma semaphore(%arg8 : memref<!tpu.dma_semaphore, #tpu.memory_space<semaphore_mem>>) src(%dma_wait3A_306 : memref<1966080x32xf32, #tpu.memory_space<hbm>>) dst(%dma_wait3A_300 : memref<128x32xf32, #tpu.memory_space<vmem>>)
      %scan3A_307 = arith.constant 0 : i32
      %scan3A_308 = arith.constant 0 : i32
      %scan3A_309 = arith.constant 128 : i32
      %scan3A_310 = arith.addi %scan3A_308, %scan3A_309 : i32
      %scan3A_311 = arith.constant 1 : i32
      %scan3A_312 = scf.for %scan3A_316 = %scan3A_308 to %scan3A_310 step %scan3A_311 iter_args(%scan3A_317 = %scan3A_307) -> (i32)  : i32 {
        %get3A = arith.constant 0 : i32
        %get3A_318 = arith.index_cast %get3A : i32 to index
        %get3A_319 = arith.index_cast %scan3A_316 : i32 to index
        %get3A_320 = arith.constant 0 : index
        %get3A_321 = tpu.vector_load %arg6[%get3A_318, %get3A_319, %get3A_320] {strides = array<i32>} : memref<12x128x32xf32, #tpu.memory_space<vmem>>, vector<1x1x16xf32>,
        %get3A_322 = vector.shape_cast %get3A_321 : vector<1x1x16xf32> to vector<16xf32>
        %get3A_323 = arith.constant 1 : i32
        %get3A_324 = arith.index_cast %get3A_323 : i32 to index
        %get3A_325 = arith.index_cast %scan3A_316 : i32 to index
        %get3A_326 = arith.constant 0 : index
        %get3A_327 = tpu.vector_load %arg6[%get3A_324, %get3A_325, %get3A_326] {strides = array<i32>} : memref<12x128x32xf32, #tpu.memory_space<vmem>>, vector<1x1x16xf32>,
        %get3A_328 = vector.shape_cast %get3A_327 : vector<1x1x16xf32> to vector<16xf32>
        %add3A_329 = arith.addf %get3A_322, %get3A_328 : vector<16xf32>
        %get3A_330 = arith.constant 2 : i32
        %get3A_331 = arith.index_cast %get3A_330 : i32 to index
        %get3A_332 = arith.index_cast %scan3A_316 : i32 to index
        %get3A_333 = arith.constant 0 : index
        %get3A_334 = tpu.vector_load %arg6[%get3A_331, %get3A_332, %get3A_333] {strides = array<i32>} : memref<12x128x32xf32, #tpu.memory_space<vmem>>, vector<1x1x16xf32>,
        %get3A_335 = vector.shape_cast %get3A_334 : vector<1x1x16xf32> to vector<16xf32>
        %add3A_336 = arith.addf %add3A_329, %get3A_335 : vector<16xf32>
        %get3A_337 = arith.constant 3 : i32
        %get3A_338 = arith.index_cast %get3A_337 : i32 to index
        %get3A_339 = arith.index_cast %scan3A_316 : i32 to index
        %get3A_340 = arith.constant 0 : index
        %get3A_341 = tpu.vector_load %arg6[%get3A_338, %get3A_339, %get3A_340] {strides = array<i32>} : memref<12x128x32xf32, #tpu.memory_space<vmem>>, vector<1x1x16xf32>,
        %get3A_342 = vector.shape_cast %get3A_341 : vector<1x1x16xf32> to vector<16xf32>
        %add3A_343 = arith.addf %add3A_336, %get3A_342 : vector<16xf32>
        %get3A_344 = arith.constant 4 : i32
        %get3A_345 = arith.index_cast %get3A_344 : i32 to index
        %get3A_346 = arith.index_cast %scan3A_316 : i32 to index
        %get3A_347 = arith.constant 0 : index
        %get3A_348 = tpu.vector_load %arg6[%get3A_345, %get3A_346, %get3A_347] {strides = array<i32>} : memref<12x128x32xf32, #tpu.memory_space<vmem>>, vector<1x1x16xf32>,
        %get3A_349 = vector.shape_cast %get3A_348 : vector<1x1x16xf32> to vector<16xf32>
        %add3A_350 = arith.addf %add3A_343, %get3A_349 : vector<16xf32>
        %get3A_351 = arith.constant 5 : i32
        %get3A_352 = arith.index_cast %get3A_351 : i32 to index
        %get3A_353 = arith.index_cast %scan3A_316 : i32 to index
        %get3A_354 = arith.constant 0 : index
        %get3A_355 = tpu.vector_load %arg6[%get3A_352, %get3A_353, %get3A_354] {strides = array<i32>} : memref<12x128x32xf32, #tpu.memory_space<vmem>>, vector<1x1x16xf32>,
        %get3A_356 = vector.shape_cast %get3A_355 : vector<1x1x16xf32> to vector<16xf32>
        %add3A_357 = arith.addf %add3A_350, %get3A_356 : vector<16xf32>
        %get3A_358 = arith.constant 6 : i32
        %get3A_359 = arith.index_cast %get3A_358 : i32 to index
        %get3A_360 = arith.index_cast %scan3A_316 : i32 to index
        %get3A_361 = arith.constant 0 : index
        %get3A_362 = tpu.vector_load %arg6[%get3A_359, %get3A_360, %get3A_361] {strides = array<i32>} : memref<12x128x32xf32, #tpu.memory_space<vmem>>, vector<1x1x16xf32>,
        %get3A_363 = vector.shape_cast %get3A_362 : vector<1x1x16xf32> to vector<16xf32>
        %add3A_364 = arith.addf %add3A_357, %get3A_363 : vector<16xf32>
        %get3A_365 = arith.constant 7 : i32
        %get3A_366 = arith.index_cast %get3A_365 : i32 to index
        %get3A_367 = arith.index_cast %scan3A_316 : i32 to index
        %get3A_368 = arith.constant 0 : index
        %get3A_369 = tpu.vector_load %arg6[%get3A_366, %get3A_367, %get3A_368] {strides = array<i32>} : memref<12x128x32xf32, #tpu.memory_space<vmem>>, vector<1x1x16xf32>,
        %get3A_370 = vector.shape_cast %get3A_369 : vector<1x1x16xf32> to vector<16xf32>
        %add3A_371 = arith.addf %add3A_364, %get3A_370 : vector<16xf32>
        %get3A_372 = arith.constant 8 : i32
        %get3A_373 = arith.index_cast %get3A_372 : i32 to index
        %get3A_374 = arith.index_cast %scan3A_316 : i32 to index
        %get3A_375 = arith.constant 0 : index
        %get3A_376 = tpu.vector_load %arg6[%get3A_373, %get3A_374, %get3A_375] {strides = array<i32>} : memref<12x128x32xf32, #tpu.memory_space<vmem>>, vector<1x1x16xf32>,
        %get3A_377 = vector.shape_cast %get3A_376 : vector<1x1x16xf32> to vector<16xf32>
        %add3A_378 = arith.addf %add3A_371, %get3A_377 : vector<16xf32>
        %get3A_379 = arith.constant 9 : i32
        %get3A_380 = arith.index_cast %get3A_379 : i32 to index
        %get3A_381 = arith.index_cast %scan3A_316 : i32 to index
        %get3A_382 = arith.constant 0 : index
        %get3A_383 = tpu.vector_load %arg6[%get3A_380, %get3A_381, %get3A_382] {strides = array<i32>} : memref<12x128x32xf32, #tpu.memory_space<vmem>>, vector<1x1x16xf32>,
        %get3A_384 = vector.shape_cast %get3A_383 : vector<1x1x16xf32> to vector<16xf32>
        %add3A_385 = arith.addf %add3A_378, %get3A_384 : vector<16xf32>
        %get3A_386 = arith.constant 10 : i32
        %get3A_387 = arith.index_cast %get3A_386 : i32 to index
        %get3A_388 = arith.index_cast %scan3A_316 : i32 to index
        %get3A_389 = arith.constant 0 : index
        %get3A_390 = tpu.vector_load %arg6[%get3A_387, %get3A_388, %get3A_389] {strides = array<i32>} : memref<12x128x32xf32, #tpu.memory_space<vmem>>, vector<1x1x16xf32>,
        %get3A_391 = vector.shape_cast %get3A_390 : vector<1x1x16xf32> to vector<16xf32>
        %add3A_392 = arith.addf %add3A_385, %get3A_391 : vector<16xf32>
        %get3A_393 = arith.constant 11 : i32
        %get3A_394 = arith.index_cast %get3A_393 : i32 to index
        %get3A_395 = arith.index_cast %scan3A_316 : i32 to index
        %get3A_396 = arith.constant 0 : index
        %get3A_397 = tpu.vector_load %arg6[%get3A_394, %get3A_395, %get3A_396] {strides = array<i32>} : memref<12x128x32xf32, #tpu.memory_space<vmem>>, vector<1x1x16xf32>,
        %get3A_398 = vector.shape_cast %get3A_397 : vector<1x1x16xf32> to vector<16xf32>
        %add3A_399 = arith.addf %add3A_392, %get3A_398 : vector<16xf32>
        %mul3A_400 = arith.constant 0.0833333358 : f32
        %mul3A_401 = vector.broadcast %mul3A_400 : f32 to vector<16xf32>
        %mul3A_402 = arith.mulf %add3A_399, %mul3A_401 : vector<16xf32>
        %swap3A = arith.index_cast %scan3A_316 : i32 to index
        %swap3A_403 = arith.constant 0 : index
        %swap3A_404 = tpu.vector_load %arg7[%swap3A, %swap3A_403] {strides = array<i32>} : memref<128x32xf32, #tpu.memory_space<vmem>>, vector<1x16xf32>,
        %swap3A_405 = vector.shape_cast %swap3A_404 : vector<1x16xf32> to vector<16xf32>
        %swap3A_406 = vector.shape_cast %mul3A_402 : vector<16xf32> to vector<1x16xf32>
        tpu.vector_store %arg7[%swap3A, %swap3A_403], %swap3A_406 {strides = array<i32>} : memref<128x32xf32, #tpu.memory_space<vmem>>, vector<1x16xf32>,
        %get3A_407 = arith.constant 0 : i32
        %get3A_408 = arith.index_cast %get3A_407 : i32 to index
        %get3A_409 = arith.index_cast %scan3A_316 : i32 to index
        %get3A_410 = arith.constant 16 : index
        %get3A_411 = tpu.vector_load %arg6[%get3A_408, %get3A_409, %get3A_410] {strides = array<i32>} : memref<12x128x32xf32, #tpu.memory_space<vmem>>, vector<1x1x16xf32>,
        %get3A_412 = vector.shape_cast %get3A_411 : vector<1x1x16xf32> to vector<16xf32>
        %get3A_413 = arith.constant 1 : i32
        %get3A_414 = arith.index_cast %get3A_413 : i32 to index
        %get3A_415 = arith.index_cast %scan3A_316 : i32 to index
        %get3A_416 = arith.constant 16 : index
        %get3A_417 = tpu.vector_load %arg6[%get3A_414, %get3A_415, %get3A_416] {strides = array<i32>} : memref<12x128x32xf32, #tpu.memory_space<vmem>>, vector<1x1x16xf32>,
        %get3A_418 = vector.shape_cast %get3A_417 : vector<1x1x16xf32> to vector<16xf32>
        %add3A_419 = arith.addf %get3A_412, %get3A_418 : vector<16xf32>
        %get3A_420 = arith.constant 2 : i32
        %get3A_421 = arith.index_cast %get3A_420 : i32 to index
        %get3A_422 = arith.index_cast %scan3A_316 : i32 to index
        %get3A_423 = arith.constant 16 : index
        %get3A_424 = tpu.vector_load %arg6[%get3A_421, %get3A_422, %get3A_423] {strides = array<i32>} : memref<12x128x32xf32, #tpu.memory_space<vmem>>, vector<1x1x16xf32>,
        %get3A_425 = vector.shape_cast %get3A_424 : vector<1x1x16xf32> to vector<16xf32>
        %add3A_426 = arith.addf %add3A_419, %get3A_425 : vector<16xf32>
        %get3A_427 = arith.constant 3 : i32
        %get3A_428 = arith.index_cast %get3A_427 : i32 to index
        %get3A_429 = arith.index_cast %scan3A_316 : i32 to index
        %get3A_430 = arith.constant 16 : index
        %get3A_431 = tpu.vector_load %arg6[%get3A_428, %get3A_429, %get3A_430] {strides = array<i32>} : memref<12x128x32xf32, #tpu.memory_space<vmem>>, vector<1x1x16xf32>,
        %get3A_432 = vector.shape_cast %get3A_431 : vector<1x1x16xf32> to vector<16xf32>
        %add3A_433 = arith.addf %add3A_426, %get3A_432 : vector<16xf32>
        %get3A_434 = arith.constant 4 : i32
        %get3A_435 = arith.index_cast %get3A_434 : i32 to index
        %get3A_436 = arith.index_cast %scan3A_316 : i32 to index
        %get3A_437 = arith.constant 16 : index
        %get3A_438 = tpu.vector_load %arg6[%get3A_435, %get3A_436, %get3A_437] {strides = array<i32>} : memref<12x128x32xf32, #tpu.memory_space<vmem>>, vector<1x1x16xf32>,
        %get3A_439 = vector.shape_cast %get3A_438 : vector<1x1x16xf32> to vector<16xf32>
        %add3A_440 = arith.addf %add3A_433, %get3A_439 : vector<16xf32>
        %get3A_441 = arith.constant 5 : i32
        %get3A_442 = arith.index_cast %get3A_441 : i32 to index
        %get3A_443 = arith.index_cast %scan3A_316 : i32 to index
        %get3A_444 = arith.constant 16 : index
        %get3A_445 = tpu.vector_load %arg6[%get3A_442, %get3A_443, %get3A_444] {strides = array<i32>} : memref<12x128x32xf32, #tpu.memory_space<vmem>>, vector<1x1x16xf32>,
        %get3A_446 = vector.shape_cast %get3A_445 : vector<1x1x16xf32> to vector<16xf32>
        %add3A_447 = arith.addf %add3A_440, %get3A_446 : vector<16xf32>
        %get3A_448 = arith.constant 6 : i32
        %get3A_449 = arith.index_cast %get3A_448 : i32 to index
        %get3A_450 = arith.index_cast %scan3A_316 : i32 to index
        %get3A_451 = arith.constant 16 : index
        %get3A_452 = tpu.vector_load %arg6[%get3A_449, %get3A_450, %get3A_451] {strides = array<i32>} : memref<12x128x32xf32, #tpu.memory_space<vmem>>, vector<1x1x16xf32>,
        %get3A_453 = vector.shape_cast %get3A_452 : vector<1x1x16xf32> to vector<16xf32>
        %add3A_454 = arith.addf %add3A_447, %get3A_453 : vector<16xf32>
        %get3A_455 = arith.constant 7 : i32
        %get3A_456 = arith.index_cast %get3A_455 : i32 to index
        %get3A_457 = arith.index_cast %scan3A_316 : i32 to index
        %get3A_458 = arith.constant 16 : index
        %get3A_459 = tpu.vector_load %arg6[%get3A_456, %get3A_457, %get3A_458] {strides = array<i32>} : memref<12x128x32xf32, #tpu.memory_space<vmem>>, vector<1x1x16xf32>,
        %get3A_460 = vector.shape_cast %get3A_459 : vector<1x1x16xf32> to vector<16xf32>
        %add3A_461 = arith.addf %add3A_454, %get3A_460 : vector<16xf32>
        %get3A_462 = arith.constant 8 : i32
        %get3A_463 = arith.index_cast %get3A_462 : i32 to index
        %get3A_464 = arith.index_cast %scan3A_316 : i32 to index
        %get3A_465 = arith.constant 16 : index
        %get3A_466 = tpu.vector_load %arg6[%get3A_463, %get3A_464, %get3A_465] {strides = array<i32>} : memref<12x128x32xf32, #tpu.memory_space<vmem>>, vector<1x1x16xf32>,
        %get3A_467 = vector.shape_cast %get3A_466 : vector<1x1x16xf32> to vector<16xf32>
        %add3A_468 = arith.addf %add3A_461, %get3A_467 : vector<16xf32>
        %get3A_469 = arith.constant 9 : i32
        %get3A_470 = arith.index_cast %get3A_469 : i32 to index
        %get3A_471 = arith.index_cast %scan3A_316 : i32 to index
        %get3A_472 = arith.constant 16 : index
        %get3A_473 = tpu.vector_load %arg6[%get3A_470, %get3A_471, %get3A_472] {strides = array<i32>} : memref<12x128x32xf32, #tpu.memory_space<vmem>>, vector<1x1x16xf32>,
        %get3A_474 = vector.shape_cast %get3A_473 : vector<1x1x16xf32> to vector<16xf32>
        %add3A_475 = arith.addf %add3A_468, %get3A_474 : vector<16xf32>
        %get3A_476 = arith.constant 10 : i32
        %get3A_477 = arith.index_cast %get3A_476 : i32 to index
        %get3A_478 = arith.index_cast %scan3A_316 : i32 to index
        %get3A_479 = arith.constant 16 : index
        %get3A_480 = tpu.vector_load %arg6[%get3A_477, %get3A_478, %get3A_479] {strides = array<i32>} : memref<12x128x32xf32, #tpu.memory_space<vmem>>, vector<1x1x16xf32>,
        %get3A_481 = vector.shape_cast %get3A_480 : vector<1x1x16xf32> to vector<16xf32>
        %add3A_482 = arith.addf %add3A_475, %get3A_481 : vector<16xf32>
        %get3A_483 = arith.constant 11 : i32
        %get3A_484 = arith.index_cast %get3A_483 : i32 to index
        %get3A_485 = arith.index_cast %scan3A_316 : i32 to index
        %get3A_486 = arith.constant 16 : index
        %get3A_487 = tpu.vector_load %arg6[%get3A_484, %get3A_485, %get3A_486] {strides = array<i32>} : memref<12x128x32xf32, #tpu.memory_space<vmem>>, vector<1x1x16xf32>,
        %get3A_488 = vector.shape_cast %get3A_487 : vector<1x1x16xf32> to vector<16xf32>
        %add3A_489 = arith.addf %add3A_482, %get3A_488 : vector<16xf32>
        %mul3A_490 = arith.constant 0.0833333358 : f32
        %mul3A_491 = vector.broadcast %mul3A_490 : f32 to vector<16xf32>
        %mul3A_492 = arith.mulf %add3A_489, %mul3A_491 : vector<16xf32>
        %swap3A_493 = arith.index_cast %scan3A_316 : i32 to index
        %swap3A_494 = arith.constant 16 : index
        %swap3A_495 = tpu.vector_load %arg7[%swap3A_493, %swap3A_494] {strides = array<i32>} : memref<128x32xf32, #tpu.memory_space<vmem>>, vector<1x16xf32>,
        %swap3A_496 = vector.shape_cast %swap3A_495 : vector<1x16xf32> to vector<16xf32>
        %swap3A_497 = vector.shape_cast %mul3A_492 : vector<16xf32> to vector<1x16xf32>
        tpu.vector_store %arg7[%swap3A_493, %swap3A_494], %swap3A_497 {strides = array<i32>} : memref<128x32xf32, #tpu.memory_space<vmem>>, vector<1x16xf32>,
        %scan3A_498 = arith.constant 0 : i32
        scf.yield %scan3A_498 : i32
      }
      %scan3A_313 = arith.constant 128 : i32
      %run_scoped3A_314 = arith.constant 0 : i32
      "tpu.region"() ({
        %run_scoped3A_316 = tpu.sem_alloc : memref<!tpu.dma_semaphore, #tpu.memory_space<semaphore_mem>>
        %dma_start3A_317 = arith.constant 0 : i32
        %dma_start3A_318 = tpu.memref_slice %arg4[%run_scoped3A_314, %mul3A_20, %dma_start3A_317] : memref<2x143360x32xf32, #tpu.memory_space<hbm>> -> memref<1x128x32xf32, #tpu.memory_space<hbm>>
        %dma_start3A_319 = tpu.memref_squeeze %dma_start3A_318 : memref<1x128x32xf32, #tpu.memory_space<hbm>> -> memref<128x32xf32, #tpu.memory_space<hbm>>
        %dma_start3A_320 = arith.constant 0 : i32
        %dma_start3A_321 = tpu.memref_slice %arg4[%run_scoped3A_314, %mul3A_20, %dma_start3A_320] : memref<2x143360x32xf32, #tpu.memory_space<hbm>> -> memref<1x128x32xf32, #tpu.memory_space<hbm>>
        %dma_start3A_322 = tpu.memref_squeeze %dma_start3A_321 : memref<1x128x32xf32, #tpu.memory_space<hbm>> -> memref<128x32xf32, #tpu.memory_space<hbm>>
        tpu.enqueue_dma source(%arg7 : memref<128x32xf32, #tpu.memory_space<vmem>>) target(%dma_start3A_322 : memref<128x32xf32, #tpu.memory_space<hbm>>) target_semaphore(%run_scoped3A_316 : memref<!tpu.dma_semaphore, #tpu.memory_space<semaphore_mem>>)
        %dma_wait3A_323 = arith.constant 0 : i32
        %dma_wait3A_324 = tpu.memref_slice %arg4[%run_scoped3A_314, %mul3A_20, %dma_wait3A_323] : memref<2x143360x32xf32, #tpu.memory_space<hbm>> -> memref<1x128x32xf32, #tpu.memory_space<hbm>>
        %dma_wait3A_325 = tpu.memref_squeeze %dma_wait3A_324 : memref<1x128x32xf32, #tpu.memory_space<hbm>> -> memref<128x32xf32, #tpu.memory_space<hbm>>
        %dma_wait3A_326 = arith.constant 0 : i32
        %dma_wait3A_327 = tpu.memref_slice %arg4[%run_scoped3A_314, %mul3A_20, %dma_wait3A_326] : memref<2x143360x32xf32, #tpu.memory_space<hbm>> -> memref<1x128x32xf32, #tpu.memory_space<hbm>>
        %dma_wait3A_328 = tpu.memref_squeeze %dma_wait3A_327 : memref<1x128x32xf32, #tpu.memory_space<hbm>> -> memref<128x32xf32, #tpu.memory_space<hbm>>
        tpu.wait_dma2 semaphore(%run_scoped3A_316 : memref<!tpu.dma_semaphore, #tpu.memory_space<semaphore_mem>>) src(%arg7 : memref<128x32xf32, #tpu.memory_space<vmem>>) dst(%dma_wait3A_328 : memref<128x32xf32, #tpu.memory_space<hbm>>)
        tpu.yield
      }) : () -> ()
      %scan3A_315 = arith.constant 0 : i32
      scf.yield %scan3A_315 : i32
    }
    %scan3A_6 = arith.constant 35 : i32
    %scan3A_7 = arith.constant 0 : i32
    %scan3A_8 = arith.constant 0 : i32
    %scan3A_9 = arith.constant 35 : i32
    %scan3A_10 = arith.addi %scan3A_8, %scan3A_9 : i32
    %scan3A_11 = arith.constant 1 : i32
    %scan3A_12 = scf.for %scan3A_14 = %scan3A_8 to %scan3A_10 step %scan3A_11 iter_args(%scan3A_15 = %scan3A_7) -> (i32)  : i32 {
      %mul3A_16 = arith.constant 35 : i32
      %mul3A_17 = arith.muli %add3A, %mul3A_16 : i32
      %add3A_18 = arith.addi %mul3A_17, %scan3A_14 : i32
      %mul3A_19 = arith.constant 128 : i32
      %mul3A_20 = arith.muli %add3A_18, %mul3A_19 : i32
      %run_scoped3A = arith.constant 1 : i32
      "tpu.region"() ({
        %run_scoped3A_316 = tpu.sem_alloc : memref<!tpu.dma_semaphore, #tpu.memory_space<semaphore_mem>>
        %dma_start3A_317 = arith.constant 0 : i32
        %dma_start3A_318 = tpu.memref_slice %arg3[%run_scoped3A, %dma_start3A_317, %mul3A_20] : memref<2x12x143360xi32, #tpu.memory_space<hbm>> -> memref<1x12x128xi32, #tpu.memory_space<hbm>>
        %dma_start3A_319 = tpu.memref_squeeze %dma_start3A_318 : memref<1x12x128xi32, #tpu.memory_space<hbm>> -> memref<12x128xi32, #tpu.memory_space<hbm>>
        %dma_start3A_320 = arith.constant 0 : i32
        %dma_start3A_321 = tpu.memref_slice %arg3[%run_scoped3A, %dma_start3A_320, %mul3A_20] : memref<2x12x143360xi32, #tpu.memory_space<hbm>> -> memref<1x12x128xi32, #tpu.memory_space<hbm>>
        %dma_start3A_322 = tpu.memref_squeeze %dma_start3A_321 : memref<1x12x128xi32, #tpu.memory_space<hbm>> -> memref<12x128xi32, #tpu.memory_space<hbm>>
        tpu.enqueue_dma source(%dma_start3A_322 : memref<12x128xi32, #tpu.memory_space<hbm>>) target(%arg5 : memref<12x128xi32, #tpu.memory_space<vmem>>) target_semaphore(%run_scoped3A_316 : memref<!tpu.dma_semaphore, #tpu.memory_space<semaphore_mem>>)
        %dma_wait3A_323 = arith.constant 0 : i32
        %dma_wait3A_324 = tpu.memref_slice %arg3[%run_scoped3A, %dma_wait3A_323, %mul3A_20] : memref<2x12x143360xi32, #tpu.memory_space<hbm>> -> memref<1x12x128xi32, #tpu.memory_space<hbm>>
        %dma_wait3A_325 = tpu.memref_squeeze %dma_wait3A_324 : memref<1x12x128xi32, #tpu.memory_space<hbm>> -> memref<12x128xi32, #tpu.memory_space<hbm>>
        %dma_wait3A_326 = arith.constant 0 : i32
        %dma_wait3A_327 = tpu.memref_slice %arg3[%run_scoped3A, %dma_wait3A_326, %mul3A_20] : memref<2x12x143360xi32, #tpu.memory_space<hbm>> -> memref<1x12x128xi32, #tpu.memory_space<hbm>>
        %dma_wait3A_328 = tpu.memref_squeeze %dma_wait3A_327 : memref<1x12x128xi32, #tpu.memory_space<hbm>> -> memref<12x128xi32, #tpu.memory_space<hbm>>
        tpu.wait_dma2 semaphore(%run_scoped3A_316 : memref<!tpu.dma_semaphore, #tpu.memory_space<semaphore_mem>>) src(%dma_wait3A_328 : memref<12x128xi32, #tpu.memory_space<hbm>>) dst(%arg5 : memref<12x128xi32, #tpu.memory_space<vmem>>)
        tpu.yield
      }) : () -> ()
      %dma_start3A = arith.constant 0 : i32
      %dma_start3A_21 = arith.constant 0 : i32
      %dma_start3A_22 = arith.constant 0 : i32
      %dma_start3A_23 = arith.constant 0 : i32
      %dma_start3A_24 = tpu.memref_slice %arg6[%dma_start3A_21, %dma_start3A_22, %dma_start3A_23] : memref<12x128x32xf32, #tpu.memory_space<vmem>> -> memref<1x128x32xf32, #tpu.memory_space<vmem>>
      %dma_start3A_25 = tpu.memref_squeeze %dma_start3A_24 : memref<1x128x32xf32, #tpu.memory_space<vmem>> -> memref<128x32xf32, #tpu.memory_space<vmem>>
      %dma_start3A_26 = arith.constant 0 : i32
      %dma_start3A_27 = tpu.memref_slice %arg5[%dma_start3A, %dma_start3A_26] : memref<12x128xi32, #tpu.memory_space<vmem>> -> memref<1x128xi32, #tpu.memory_space<vmem>>
      %dma_start3A_28 = tpu.memref_squeeze %dma_start3A_27 : memref<1x128xi32, #tpu.memory_space<vmem>> -> memref<128xi32, #tpu.memory_space<vmem>>
      %dma_start3A_29 = arith.constant 0 : i32
      %dma_start3A_30 = arith.constant 0 : i32
      %dma_start3A_31 = tpu.memref_slice %arg2[%dma_start3A_29, %dma_start3A_30] : memref<1966080x32xf32, #tpu.memory_space<hbm>> -> memref<1966080x32xf32, #tpu.memory_space<hbm>>
      tpu.enqueue_indirect_dma source(%dma_start3A_31 : memref<1966080x32xf32, #tpu.memory_space<hbm>>) target(%dma_start3A_25 : memref<128x32xf32, #tpu.memory_space<vmem>>) offsets(%dma_start3A_28 : memref<128xi32, #tpu.memory_space<vmem>>) semaphore(%arg8 : memref<!tpu.dma_semaphore, #tpu.memory_space<semaphore_mem>>)
      %dma_start3A_32 = arith.constant 1 : i32
      %dma_start3A_33 = arith.constant 1 : i32
      %dma_start3A_34 = arith.constant 0 : i32
      %dma_start3A_35 = arith.constant 0 : i32
      %dma_start3A_36 = tpu.memref_slice %arg6[%dma_start3A_33, %dma_start3A_34, %dma_start3A_35] : memref<12x128x32xf32, #tpu.memory_space<vmem>> -> memref<1x128x32xf32, #tpu.memory_space<vmem>>
      %dma_start3A_37 = tpu.memref_squeeze %dma_start3A_36 : memref<1x128x32xf32, #tpu.memory_space<vmem>> -> memref<128x32xf32, #tpu.memory_space<vmem>>
      %dma_start3A_38 = arith.constant 0 : i32
      %dma_start3A_39 = tpu.memref_slice %arg5[%dma_start3A_32, %dma_start3A_38] : memref<12x128xi32, #tpu.memory_space<vmem>> -> memref<1x128xi32, #tpu.memory_space<vmem>>
      %dma_start3A_40 = tpu.memref_squeeze %dma_start3A_39 : memref<1x128xi32, #tpu.memory_space<vmem>> -> memref<128xi32, #tpu.memory_space<vmem>>
      %dma_start3A_41 = arith.constant 0 : i32
      %dma_start3A_42 = arith.constant 0 : i32
      %dma_start3A_43 = tpu.memref_slice %arg2[%dma_start3A_41, %dma_start3A_42] : memref<1966080x32xf32, #tpu.memory_space<hbm>> -> memref<1966080x32xf32, #tpu.memory_space<hbm>>
      tpu.enqueue_indirect_dma source(%dma_start3A_43 : memref<1966080x32xf32, #tpu.memory_space<hbm>>) target(%dma_start3A_37 : memref<128x32xf32, #tpu.memory_space<vmem>>) offsets(%dma_start3A_40 : memref<128xi32, #tpu.memory_space<vmem>>) semaphore(%arg8 : memref<!tpu.dma_semaphore, #tpu.memory_space<semaphore_mem>>)
      %dma_start3A_44 = arith.constant 2 : i32
      %dma_start3A_45 = arith.constant 2 : i32
      %dma_start3A_46 = arith.constant 0 : i32
      %dma_start3A_47 = arith.constant 0 : i32
      %dma_start3A_48 = tpu.memref_slice %arg6[%dma_start3A_45, %dma_start3A_46, %dma_start3A_47] : memref<12x128x32xf32, #tpu.memory_space<vmem>> -> memref<1x128x32xf32, #tpu.memory_space<vmem>>
      %dma_start3A_49 = tpu.memref_squeeze %dma_start3A_48 : memref<1x128x32xf32, #tpu.memory_space<vmem>> -> memref<128x32xf32, #tpu.memory_space<vmem>>
      %dma_start3A_50 = arith.constant 0 : i32
      %dma_start3A_51 = tpu.memref_slice %arg5[%dma_start3A_44, %dma_start3A_50] : memref<12x128xi32, #tpu.memory_space<vmem>> -> memref<1x128xi32, #tpu.memory_space<vmem>>
      %dma_start3A_52 = tpu.memref_squeeze %dma_start3A_51 : memref<1x128xi32, #tpu.memory_space<vmem>> -> memref<128xi32, #tpu.memory_space<vmem>>
      %dma_start3A_53 = arith.constant 0 : i32
      %dma_start3A_54 = arith.constant 0 : i32
      %dma_start3A_55 = tpu.memref_slice %arg2[%dma_start3A_53, %dma_start3A_54] : memref<1966080x32xf32, #tpu.memory_space<hbm>> -> memref<1966080x32xf32, #tpu.memory_space<hbm>>
      tpu.enqueue_indirect_dma source(%dma_start3A_55 : memref<1966080x32xf32, #tpu.memory_space<hbm>>) target(%dma_start3A_49 : memref<128x32xf32, #tpu.memory_space<vmem>>) offsets(%dma_start3A_52 : memref<128xi32, #tpu.memory_space<vmem>>) semaphore(%arg8 : memref<!tpu.dma_semaphore, #tpu.memory_space<semaphore_mem>>)
      %dma_start3A_56 = arith.constant 3 : i32
      %dma_start3A_57 = arith.constant 3 : i32
      %dma_start3A_58 = arith.constant 0 : i32
      %dma_start3A_59 = arith.constant 0 : i32
      %dma_start3A_60 = tpu.memref_slice %arg6[%dma_start3A_57, %dma_start3A_58, %dma_start3A_59] : memref<12x128x32xf32, #tpu.memory_space<vmem>> -> memref<1x128x32xf32, #tpu.memory_space<vmem>>
      %dma_start3A_61 = tpu.memref_squeeze %dma_start3A_60 : memref<1x128x32xf32, #tpu.memory_space<vmem>> -> memref<128x32xf32, #tpu.memory_space<vmem>>
      %dma_start3A_62 = arith.constant 0 : i32
      %dma_start3A_63 = tpu.memref_slice %arg5[%dma_start3A_56, %dma_start3A_62] : memref<12x128xi32, #tpu.memory_space<vmem>> -> memref<1x128xi32, #tpu.memory_space<vmem>>
      %dma_start3A_64 = tpu.memref_squeeze %dma_start3A_63 : memref<1x128xi32, #tpu.memory_space<vmem>> -> memref<128xi32, #tpu.memory_space<vmem>>
      %dma_start3A_65 = arith.constant 0 : i32
      %dma_start3A_66 = arith.constant 0 : i32
      %dma_start3A_67 = tpu.memref_slice %arg2[%dma_start3A_65, %dma_start3A_66] : memref<1966080x32xf32, #tpu.memory_space<hbm>> -> memref<1966080x32xf32, #tpu.memory_space<hbm>>
      tpu.enqueue_indirect_dma source(%dma_start3A_67 : memref<1966080x32xf32, #tpu.memory_space<hbm>>) target(%dma_start3A_61 : memref<128x32xf32, #tpu.memory_space<vmem>>) offsets(%dma_start3A_64 : memref<128xi32, #tpu.memory_space<vmem>>) semaphore(%arg8 : memref<!tpu.dma_semaphore, #tpu.memory_space<semaphore_mem>>)
      %dma_start3A_68 = arith.constant 4 : i32
      %dma_start3A_69 = arith.constant 4 : i32
      %dma_start3A_70 = arith.constant 0 : i32
      %dma_start3A_71 = arith.constant 0 : i32
      %dma_start3A_72 = tpu.memref_slice %arg6[%dma_start3A_69, %dma_start3A_70, %dma_start3A_71] : memref<12x128x32xf32, #tpu.memory_space<vmem>> -> memref<1x128x32xf32, #tpu.memory_space<vmem>>
      %dma_start3A_73 = tpu.memref_squeeze %dma_start3A_72 : memref<1x128x32xf32, #tpu.memory_space<vmem>> -> memref<128x32xf32, #tpu.memory_space<vmem>>
      %dma_start3A_74 = arith.constant 0 : i32
      %dma_start3A_75 = tpu.memref_slice %arg5[%dma_start3A_68, %dma_start3A_74] : memref<12x128xi32, #tpu.memory_space<vmem>> -> memref<1x128xi32, #tpu.memory_space<vmem>>
      %dma_start3A_76 = tpu.memref_squeeze %dma_start3A_75 : memref<1x128xi32, #tpu.memory_space<vmem>> -> memref<128xi32, #tpu.memory_space<vmem>>
      %dma_start3A_77 = arith.constant 0 : i32
      %dma_start3A_78 = arith.constant 0 : i32
      %dma_start3A_79 = tpu.memref_slice %arg2[%dma_start3A_77, %dma_start3A_78] : memref<1966080x32xf32, #tpu.memory_space<hbm>> -> memref<1966080x32xf32, #tpu.memory_space<hbm>>
      tpu.enqueue_indirect_dma source(%dma_start3A_79 : memref<1966080x32xf32, #tpu.memory_space<hbm>>) target(%dma_start3A_73 : memref<128x32xf32, #tpu.memory_space<vmem>>) offsets(%dma_start3A_76 : memref<128xi32, #tpu.memory_space<vmem>>) semaphore(%arg8 : memref<!tpu.dma_semaphore, #tpu.memory_space<semaphore_mem>>)
      %dma_start3A_80 = arith.constant 5 : i32
      %dma_start3A_81 = arith.constant 5 : i32
      %dma_start3A_82 = arith.constant 0 : i32
      %dma_start3A_83 = arith.constant 0 : i32
      %dma_start3A_84 = tpu.memref_slice %arg6[%dma_start3A_81, %dma_start3A_82, %dma_start3A_83] : memref<12x128x32xf32, #tpu.memory_space<vmem>> -> memref<1x128x32xf32, #tpu.memory_space<vmem>>
      %dma_start3A_85 = tpu.memref_squeeze %dma_start3A_84 : memref<1x128x32xf32, #tpu.memory_space<vmem>> -> memref<128x32xf32, #tpu.memory_space<vmem>>
      %dma_start3A_86 = arith.constant 0 : i32
      %dma_start3A_87 = tpu.memref_slice %arg5[%dma_start3A_80, %dma_start3A_86] : memref<12x128xi32, #tpu.memory_space<vmem>> -> memref<1x128xi32, #tpu.memory_space<vmem>>
      %dma_start3A_88 = tpu.memref_squeeze %dma_start3A_87 : memref<1x128xi32, #tpu.memory_space<vmem>> -> memref<128xi32, #tpu.memory_space<vmem>>
      %dma_start3A_89 = arith.constant 0 : i32
      %dma_start3A_90 = arith.constant 0 : i32
      %dma_start3A_91 = tpu.memref_slice %arg2[%dma_start3A_89, %dma_start3A_90] : memref<1966080x32xf32, #tpu.memory_space<hbm>> -> memref<1966080x32xf32, #tpu.memory_space<hbm>>
      tpu.enqueue_indirect_dma source(%dma_start3A_91 : memref<1966080x32xf32, #tpu.memory_space<hbm>>) target(%dma_start3A_85 : memref<128x32xf32, #tpu.memory_space<vmem>>) offsets(%dma_start3A_88 : memref<128xi32, #tpu.memory_space<vmem>>) semaphore(%arg8 : memref<!tpu.dma_semaphore, #tpu.memory_space<semaphore_mem>>)
      %dma_start3A_92 = arith.constant 6 : i32
      %dma_start3A_93 = arith.constant 6 : i32
      %dma_start3A_94 = arith.constant 0 : i32
      %dma_start3A_95 = arith.constant 0 : i32
      %dma_start3A_96 = tpu.memref_slice %arg6[%dma_start3A_93, %dma_start3A_94, %dma_start3A_95] : memref<12x128x32xf32, #tpu.memory_space<vmem>> -> memref<1x128x32xf32, #tpu.memory_space<vmem>>
      %dma_start3A_97 = tpu.memref_squeeze %dma_start3A_96 : memref<1x128x32xf32, #tpu.memory_space<vmem>> -> memref<128x32xf32, #tpu.memory_space<vmem>>
      %dma_start3A_98 = arith.constant 0 : i32
      %dma_start3A_99 = tpu.memref_slice %arg5[%dma_start3A_92, %dma_start3A_98] : memref<12x128xi32, #tpu.memory_space<vmem>> -> memref<1x128xi32, #tpu.memory_space<vmem>>
      %dma_start3A_100 = tpu.memref_squeeze %dma_start3A_99 : memref<1x128xi32, #tpu.memory_space<vmem>> -> memref<128xi32, #tpu.memory_space<vmem>>
      %dma_start3A_101 = arith.constant 0 : i32
      %dma_start3A_102 = arith.constant 0 : i32
      %dma_start3A_103 = tpu.memref_slice %arg2[%dma_start3A_101, %dma_start3A_102] : memref<1966080x32xf32, #tpu.memory_space<hbm>> -> memref<1966080x32xf32, #tpu.memory_space<hbm>>
      tpu.enqueue_indirect_dma source(%dma_start3A_103 : memref<1966080x32xf32, #tpu.memory_space<hbm>>) target(%dma_start3A_97 : memref<128x32xf32, #tpu.memory_space<vmem>>) offsets(%dma_start3A_100 : memref<128xi32, #tpu.memory_space<vmem>>) semaphore(%arg8 : memref<!tpu.dma_semaphore, #tpu.memory_space<semaphore_mem>>)
      %dma_start3A_104 = arith.constant 7 : i32
      %dma_start3A_105 = arith.constant 7 : i32
      %dma_start3A_106 = arith.constant 0 : i32
      %dma_start3A_107 = arith.constant 0 : i32
      %dma_start3A_108 = tpu.memref_slice %arg6[%dma_start3A_105, %dma_start3A_106, %dma_start3A_107] : memref<12x128x32xf32, #tpu.memory_space<vmem>> -> memref<1x128x32xf32, #tpu.memory_space<vmem>>
      %dma_start3A_109 = tpu.memref_squeeze %dma_start3A_108 : memref<1x128x32xf32, #tpu.memory_space<vmem>> -> memref<128x32xf32, #tpu.memory_space<vmem>>
      %dma_start3A_110 = arith.constant 0 : i32
      %dma_start3A_111 = tpu.memref_slice %arg5[%dma_start3A_104, %dma_start3A_110] : memref<12x128xi32, #tpu.memory_space<vmem>> -> memref<1x128xi32, #tpu.memory_space<vmem>>
      %dma_start3A_112 = tpu.memref_squeeze %dma_start3A_111 : memref<1x128xi32, #tpu.memory_space<vmem>> -> memref<128xi32, #tpu.memory_space<vmem>>
      %dma_start3A_113 = arith.constant 0 : i32
      %dma_start3A_114 = arith.constant 0 : i32
      %dma_start3A_115 = tpu.memref_slice %arg2[%dma_start3A_113, %dma_start3A_114] : memref<1966080x32xf32, #tpu.memory_space<hbm>> -> memref<1966080x32xf32, #tpu.memory_space<hbm>>
      tpu.enqueue_indirect_dma source(%dma_start3A_115 : memref<1966080x32xf32, #tpu.memory_space<hbm>>) target(%dma_start3A_109 : memref<128x32xf32, #tpu.memory_space<vmem>>) offsets(%dma_start3A_112 : memref<128xi32, #tpu.memory_space<vmem>>) semaphore(%arg8 : memref<!tpu.dma_semaphore, #tpu.memory_space<semaphore_mem>>)
      %dma_start3A_116 = arith.constant 8 : i32
      %dma_start3A_117 = arith.constant 8 : i32
      %dma_start3A_118 = arith.constant 0 : i32
      %dma_start3A_119 = arith.constant 0 : i32
      %dma_start3A_120 = tpu.memref_slice %arg6[%dma_start3A_117, %dma_start3A_118, %dma_start3A_119] : memref<12x128x32xf32, #tpu.memory_space<vmem>> -> memref<1x128x32xf32, #tpu.memory_space<vmem>>
      %dma_start3A_121 = tpu.memref_squeeze %dma_start3A_120 : memref<1x128x32xf32, #tpu.memory_space<vmem>> -> memref<128x32xf32, #tpu.memory_space<vmem>>
      %dma_start3A_122 = arith.constant 0 : i32
      %dma_start3A_123 = tpu.memref_slice %arg5[%dma_start3A_116, %dma_start3A_122] : memref<12x128xi32, #tpu.memory_space<vmem>> -> memref<1x128xi32, #tpu.memory_space<vmem>>
      %dma_start3A_124 = tpu.memref_squeeze %dma_start3A_123 : memref<1x128xi32, #tpu.memory_space<vmem>> -> memref<128xi32, #tpu.memory_space<vmem>>
      %dma_start3A_125 = arith.constant 0 : i32
      %dma_start3A_126 = arith.constant 0 : i32
      %dma_start3A_127 = tpu.memref_slice %arg2[%dma_start3A_125, %dma_start3A_126] : memref<1966080x32xf32, #tpu.memory_space<hbm>> -> memref<1966080x32xf32, #tpu.memory_space<hbm>>
      tpu.enqueue_indirect_dma source(%dma_start3A_127 : memref<1966080x32xf32, #tpu.memory_space<hbm>>) target(%dma_start3A_121 : memref<128x32xf32, #tpu.memory_space<vmem>>) offsets(%dma_start3A_124 : memref<128xi32, #tpu.memory_space<vmem>>) semaphore(%arg8 : memref<!tpu.dma_semaphore, #tpu.memory_space<semaphore_mem>>)
      %dma_start3A_128 = arith.constant 9 : i32
      %dma_start3A_129 = arith.constant 9 : i32
      %dma_start3A_130 = arith.constant 0 : i32
      %dma_start3A_131 = arith.constant 0 : i32
      %dma_start3A_132 = tpu.memref_slice %arg6[%dma_start3A_129, %dma_start3A_130, %dma_start3A_131] : memref<12x128x32xf32, #tpu.memory_space<vmem>> -> memref<1x128x32xf32, #tpu.memory_space<vmem>>
      %dma_start3A_133 = tpu.memref_squeeze %dma_start3A_132 : memref<1x128x32xf32, #tpu.memory_space<vmem>> -> memref<128x32xf32, #tpu.memory_space<vmem>>
      %dma_start3A_134 = arith.constant 0 : i32
      %dma_start3A_135 = tpu.memref_slice %arg5[%dma_start3A_128, %dma_start3A_134] : memref<12x128xi32, #tpu.memory_space<vmem>> -> memref<1x128xi32, #tpu.memory_space<vmem>>
      %dma_start3A_136 = tpu.memref_squeeze %dma_start3A_135 : memref<1x128xi32, #tpu.memory_space<vmem>> -> memref<128xi32, #tpu.memory_space<vmem>>
      %dma_start3A_137 = arith.constant 0 : i32
      %dma_start3A_138 = arith.constant 0 : i32
      %dma_start3A_139 = tpu.memref_slice %arg2[%dma_start3A_137, %dma_start3A_138] : memref<1966080x32xf32, #tpu.memory_space<hbm>> -> memref<1966080x32xf32, #tpu.memory_space<hbm>>
      tpu.enqueue_indirect_dma source(%dma_start3A_139 : memref<1966080x32xf32, #tpu.memory_space<hbm>>) target(%dma_start3A_133 : memref<128x32xf32, #tpu.memory_space<vmem>>) offsets(%dma_start3A_136 : memref<128xi32, #tpu.memory_space<vmem>>) semaphore(%arg8 : memref<!tpu.dma_semaphore, #tpu.memory_space<semaphore_mem>>)
      %dma_start3A_140 = arith.constant 10 : i32
      %dma_start3A_141 = arith.constant 10 : i32
      %dma_start3A_142 = arith.constant 0 : i32
      %dma_start3A_143 = arith.constant 0 : i32
      %dma_start3A_144 = tpu.memref_slice %arg6[%dma_start3A_141, %dma_start3A_142, %dma_start3A_143] : memref<12x128x32xf32, #tpu.memory_space<vmem>> -> memref<1x128x32xf32, #tpu.memory_space<vmem>>
      %dma_start3A_145 = tpu.memref_squeeze %dma_start3A_144 : memref<1x128x32xf32, #tpu.memory_space<vmem>> -> memref<128x32xf32, #tpu.memory_space<vmem>>
      %dma_start3A_146 = arith.constant 0 : i32
      %dma_start3A_147 = tpu.memref_slice %arg5[%dma_start3A_140, %dma_start3A_146] : memref<12x128xi32, #tpu.memory_space<vmem>> -> memref<1x128xi32, #tpu.memory_space<vmem>>
      %dma_start3A_148 = tpu.memref_squeeze %dma_start3A_147 : memref<1x128xi32, #tpu.memory_space<vmem>> -> memref<128xi32, #tpu.memory_space<vmem>>
      %dma_start3A_149 = arith.constant 0 : i32
      %dma_start3A_150 = arith.constant 0 : i32
      %dma_start3A_151 = tpu.memref_slice %arg2[%dma_start3A_149, %dma_start3A_150] : memref<1966080x32xf32, #tpu.memory_space<hbm>> -> memref<1966080x32xf32, #tpu.memory_space<hbm>>
      tpu.enqueue_indirect_dma source(%dma_start3A_151 : memref<1966080x32xf32, #tpu.memory_space<hbm>>) target(%dma_start3A_145 : memref<128x32xf32, #tpu.memory_space<vmem>>) offsets(%dma_start3A_148 : memref<128xi32, #tpu.memory_space<vmem>>) semaphore(%arg8 : memref<!tpu.dma_semaphore, #tpu.memory_space<semaphore_mem>>)
      %dma_start3A_152 = arith.constant 11 : i32
      %dma_start3A_153 = arith.constant 11 : i32
      %dma_start3A_154 = arith.constant 0 : i32
      %dma_start3A_155 = arith.constant 0 : i32
      %dma_start3A_156 = tpu.memref_slice %arg6[%dma_start3A_153, %dma_start3A_154, %dma_start3A_155] : memref<12x128x32xf32, #tpu.memory_space<vmem>> -> memref<1x128x32xf32, #tpu.memory_space<vmem>>
      %dma_start3A_157 = tpu.memref_squeeze %dma_start3A_156 : memref<1x128x32xf32, #tpu.memory_space<vmem>> -> memref<128x32xf32, #tpu.memory_space<vmem>>
      %dma_start3A_158 = arith.constant 0 : i32
      %dma_start3A_159 = tpu.memref_slice %arg5[%dma_start3A_152, %dma_start3A_158] : memref<12x128xi32, #tpu.memory_space<vmem>> -> memref<1x128xi32, #tpu.memory_space<vmem>>
      %dma_start3A_160 = tpu.memref_squeeze %dma_start3A_159 : memref<1x128xi32, #tpu.memory_space<vmem>> -> memref<128xi32, #tpu.memory_space<vmem>>
      %dma_start3A_161 = arith.constant 0 : i32
      %dma_start3A_162 = arith.constant 0 : i32
      %dma_start3A_163 = tpu.memref_slice %arg2[%dma_start3A_161, %dma_start3A_162] : memref<1966080x32xf32, #tpu.memory_space<hbm>> -> memref<1966080x32xf32, #tpu.memory_space<hbm>>
      tpu.enqueue_indirect_dma source(%dma_start3A_163 : memref<1966080x32xf32, #tpu.memory_space<hbm>>) target(%dma_start3A_157 : memref<128x32xf32, #tpu.memory_space<vmem>>) offsets(%dma_start3A_160 : memref<128xi32, #tpu.memory_space<vmem>>) semaphore(%arg8 : memref<!tpu.dma_semaphore, #tpu.memory_space<semaphore_mem>>)
      %dma_wait3A = arith.constant 0 : i32
      %dma_wait3A_164 = arith.constant 0 : i32
      %dma_wait3A_165 = arith.constant 0 : i32
      %dma_wait3A_166 = arith.constant 0 : i32
      %dma_wait3A_167 = tpu.memref_slice %arg6[%dma_wait3A_164, %dma_wait3A_165, %dma_wait3A_166] : memref<12x128x32xf32, #tpu.memory_space<vmem>> -> memref<1x128x32xf32, #tpu.memory_space<vmem>>
      %dma_wait3A_168 = tpu.memref_squeeze %dma_wait3A_167 : memref<1x128x32xf32, #tpu.memory_space<vmem>> -> memref<128x32xf32, #tpu.memory_space<vmem>>
      %dma_wait3A_169 = arith.constant 0 : i32
      %dma_wait3A_170 = tpu.memref_slice %arg5[%dma_wait3A, %dma_wait3A_169] : memref<12x128xi32, #tpu.memory_space<vmem>> -> memref<1x128xi32, #tpu.memory_space<vmem>>
      %dma_wait3A_171 = tpu.memref_squeeze %dma_wait3A_170 : memref<1x128xi32, #tpu.memory_space<vmem>> -> memref<128xi32, #tpu.memory_space<vmem>>
      %dma_wait3A_172 = arith.constant 0 : i32
      %dma_wait3A_173 = arith.constant 0 : i32
      %dma_wait3A_174 = tpu.memref_slice %arg2[%dma_wait3A_172, %dma_wait3A_173] : memref<1966080x32xf32, #tpu.memory_space<hbm>> -> memref<1966080x32xf32, #tpu.memory_space<hbm>>
      tpu.wait_indirect_dma semaphore(%arg8 : memref<!tpu.dma_semaphore, #tpu.memory_space<semaphore_mem>>) src(%dma_wait3A_174 : memref<1966080x32xf32, #tpu.memory_space<hbm>>) dst(%dma_wait3A_168 : memref<128x32xf32, #tpu.memory_space<vmem>>)
      %dma_wait3A_175 = arith.constant 1 : i32
      %dma_wait3A_176 = arith.constant 1 : i32
      %dma_wait3A_177 = arith.constant 0 : i32
      %dma_wait3A_178 = arith.constant 0 : i32
      %dma_wait3A_179 = tpu.memref_slice %arg6[%dma_wait3A_176, %dma_wait3A_177, %dma_wait3A_178] : memref<12x128x32xf32, #tpu.memory_space<vmem>> -> memref<1x128x32xf32, #tpu.memory_space<vmem>>
      %dma_wait3A_180 = tpu.memref_squeeze %dma_wait3A_179 : memref<1x128x32xf32, #tpu.memory_space<vmem>> -> memref<128x32xf32, #tpu.memory_space<vmem>>
      %dma_wait3A_181 = arith.constant 0 : i32
      %dma_wait3A_182 = tpu.memref_slice %arg5[%dma_wait3A_175, %dma_wait3A_181] : memref<12x128xi32, #tpu.memory_space<vmem>> -> memref<1x128xi32, #tpu.memory_space<vmem>>
      %dma_wait3A_183 = tpu.memref_squeeze %dma_wait3A_182 : memref<1x128xi32, #tpu.memory_space<vmem>> -> memref<128xi32, #tpu.memory_space<vmem>>
      %dma_wait3A_184 = arith.constant 0 : i32
      %dma_wait3A_185 = arith.constant 0 : i32
      %dma_wait3A_186 = tpu.memref_slice %arg2[%dma_wait3A_184, %dma_wait3A_185] : memref<1966080x32xf32, #tpu.memory_space<hbm>> -> memref<1966080x32xf32, #tpu.memory_space<hbm>>
      tpu.wait_indirect_dma semaphore(%arg8 : memref<!tpu.dma_semaphore, #tpu.memory_space<semaphore_mem>>) src(%dma_wait3A_186 : memref<1966080x32xf32, #tpu.memory_space<hbm>>) dst(%dma_wait3A_180 : memref<128x32xf32, #tpu.memory_space<vmem>>)
      %dma_wait3A_187 = arith.constant 2 : i32
      %dma_wait3A_188 = arith.constant 2 : i32
      %dma_wait3A_189 = arith.constant 0 : i32
      %dma_wait3A_190 = arith.constant 0 : i32
      %dma_wait3A_191 = tpu.memref_slice %arg6[%dma_wait3A_188, %dma_wait3A_189, %dma_wait3A_190] : memref<12x128x32xf32, #tpu.memory_space<vmem>> -> memref<1x128x32xf32, #tpu.memory_space<vmem>>
      %dma_wait3A_192 = tpu.memref_squeeze %dma_wait3A_191 : memref<1x128x32xf32, #tpu.memory_space<vmem>> -> memref<128x32xf32, #tpu.memory_space<vmem>>
      %dma_wait3A_193 = arith.constant 0 : i32
      %dma_wait3A_194 = tpu.memref_slice %arg5[%dma_wait3A_187, %dma_wait3A_193] : memref<12x128xi32, #tpu.memory_space<vmem>> -> memref<1x128xi32, #tpu.memory_space<vmem>>
      %dma_wait3A_195 = tpu.memref_squeeze %dma_wait3A_194 : memref<1x128xi32, #tpu.memory_space<vmem>> -> memref<128xi32, #tpu.memory_space<vmem>>
      %dma_wait3A_196 = arith.constant 0 : i32
      %dma_wait3A_197 = arith.constant 0 : i32
      %dma_wait3A_198 = tpu.memref_slice %arg2[%dma_wait3A_196, %dma_wait3A_197] : memref<1966080x32xf32, #tpu.memory_space<hbm>> -> memref<1966080x32xf32, #tpu.memory_space<hbm>>
      tpu.wait_indirect_dma semaphore(%arg8 : memref<!tpu.dma_semaphore, #tpu.memory_space<semaphore_mem>>) src(%dma_wait3A_198 : memref<1966080x32xf32, #tpu.memory_space<hbm>>) dst(%dma_wait3A_192 : memref<128x32xf32, #tpu.memory_space<vmem>>)
      %dma_wait3A_199 = arith.constant 3 : i32
      %dma_wait3A_200 = arith.constant 3 : i32
      %dma_wait3A_201 = arith.constant 0 : i32
      %dma_wait3A_202 = arith.constant 0 : i32
      %dma_wait3A_203 = tpu.memref_slice %arg6[%dma_wait3A_200, %dma_wait3A_201, %dma_wait3A_202] : memref<12x128x32xf32, #tpu.memory_space<vmem>> -> memref<1x128x32xf32, #tpu.memory_space<vmem>>
      %dma_wait3A_204 = tpu.memref_squeeze %dma_wait3A_203 : memref<1x128x32xf32, #tpu.memory_space<vmem>> -> memref<128x32xf32, #tpu.memory_space<vmem>>
      %dma_wait3A_205 = arith.constant 0 : i32
      %dma_wait3A_206 = tpu.memref_slice %arg5[%dma_wait3A_199, %dma_wait3A_205] : memref<12x128xi32, #tpu.memory_space<vmem>> -> memref<1x128xi32, #tpu.memory_space<vmem>>
      %dma_wait3A_207 = tpu.memref_squeeze %dma_wait3A_206 : memref<1x128xi32, #tpu.memory_space<vmem>> -> memref<128xi32, #tpu.memory_space<vmem>>
      %dma_wait3A_208 = arith.constant 0 : i32
      %dma_wait3A_209 = arith.constant 0 : i32
      %dma_wait3A_210 = tpu.memref_slice %arg2[%dma_wait3A_208, %dma_wait3A_209] : memref<1966080x32xf32, #tpu.memory_space<hbm>> -> memref<1966080x32xf32, #tpu.memory_space<hbm>>
      tpu.wait_indirect_dma semaphore(%arg8 : memref<!tpu.dma_semaphore, #tpu.memory_space<semaphore_mem>>) src(%dma_wait3A_210 : memref<1966080x32xf32, #tpu.memory_space<hbm>>) dst(%dma_wait3A_204 : memref<128x32xf32, #tpu.memory_space<vmem>>)
      %dma_wait3A_211 = arith.constant 4 : i32
      %dma_wait3A_212 = arith.constant 4 : i32
      %dma_wait3A_213 = arith.constant 0 : i32
      %dma_wait3A_214 = arith.constant 0 : i32
      %dma_wait3A_215 = tpu.memref_slice %arg6[%dma_wait3A_212, %dma_wait3A_213, %dma_wait3A_214] : memref<12x128x32xf32, #tpu.memory_space<vmem>> -> memref<1x128x32xf32, #tpu.memory_space<vmem>>
      %dma_wait3A_216 = tpu.memref_squeeze %dma_wait3A_215 : memref<1x128x32xf32, #tpu.memory_space<vmem>> -> memref<128x32xf32, #tpu.memory_space<vmem>>
      %dma_wait3A_217 = arith.constant 0 : i32
      %dma_wait3A_218 = tpu.memref_slice %arg5[%dma_wait3A_211, %dma_wait3A_217] : memref<12x128xi32, #tpu.memory_space<vmem>> -> memref<1x128xi32, #tpu.memory_space<vmem>>
      %dma_wait3A_219 = tpu.memref_squeeze %dma_wait3A_218 : memref<1x128xi32, #tpu.memory_space<vmem>> -> memref<128xi32, #tpu.memory_space<vmem>>
      %dma_wait3A_220 = arith.constant 0 : i32
      %dma_wait3A_221 = arith.constant 0 : i32
      %dma_wait3A_222 = tpu.memref_slice %arg2[%dma_wait3A_220, %dma_wait3A_221] : memref<1966080x32xf32, #tpu.memory_space<hbm>> -> memref<1966080x32xf32, #tpu.memory_space<hbm>>
      tpu.wait_indirect_dma semaphore(%arg8 : memref<!tpu.dma_semaphore, #tpu.memory_space<semaphore_mem>>) src(%dma_wait3A_222 : memref<1966080x32xf32, #tpu.memory_space<hbm>>) dst(%dma_wait3A_216 : memref<128x32xf32, #tpu.memory_space<vmem>>)
      %dma_wait3A_223 = arith.constant 5 : i32
      %dma_wait3A_224 = arith.constant 5 : i32
      %dma_wait3A_225 = arith.constant 0 : i32
      %dma_wait3A_226 = arith.constant 0 : i32
      %dma_wait3A_227 = tpu.memref_slice %arg6[%dma_wait3A_224, %dma_wait3A_225, %dma_wait3A_226] : memref<12x128x32xf32, #tpu.memory_space<vmem>> -> memref<1x128x32xf32, #tpu.memory_space<vmem>>
      %dma_wait3A_228 = tpu.memref_squeeze %dma_wait3A_227 : memref<1x128x32xf32, #tpu.memory_space<vmem>> -> memref<128x32xf32, #tpu.memory_space<vmem>>
      %dma_wait3A_229 = arith.constant 0 : i32
      %dma_wait3A_230 = tpu.memref_slice %arg5[%dma_wait3A_223, %dma_wait3A_229] : memref<12x128xi32, #tpu.memory_space<vmem>> -> memref<1x128xi32, #tpu.memory_space<vmem>>
      %dma_wait3A_231 = tpu.memref_squeeze %dma_wait3A_230 : memref<1x128xi32, #tpu.memory_space<vmem>> -> memref<128xi32, #tpu.memory_space<vmem>>
      %dma_wait3A_232 = arith.constant 0 : i32
      %dma_wait3A_233 = arith.constant 0 : i32
      %dma_wait3A_234 = tpu.memref_slice %arg2[%dma_wait3A_232, %dma_wait3A_233] : memref<1966080x32xf32, #tpu.memory_space<hbm>> -> memref<1966080x32xf32, #tpu.memory_space<hbm>>
      tpu.wait_indirect_dma semaphore(%arg8 : memref<!tpu.dma_semaphore, #tpu.memory_space<semaphore_mem>>) src(%dma_wait3A_234 : memref<1966080x32xf32, #tpu.memory_space<hbm>>) dst(%dma_wait3A_228 : memref<128x32xf32, #tpu.memory_space<vmem>>)
      %dma_wait3A_235 = arith.constant 6 : i32
      %dma_wait3A_236 = arith.constant 6 : i32
      %dma_wait3A_237 = arith.constant 0 : i32
      %dma_wait3A_238 = arith.constant 0 : i32
      %dma_wait3A_239 = tpu.memref_slice %arg6[%dma_wait3A_236, %dma_wait3A_237, %dma_wait3A_238] : memref<12x128x32xf32, #tpu.memory_space<vmem>> -> memref<1x128x32xf32, #tpu.memory_space<vmem>>
      %dma_wait3A_240 = tpu.memref_squeeze %dma_wait3A_239 : memref<1x128x32xf32, #tpu.memory_space<vmem>> -> memref<128x32xf32, #tpu.memory_space<vmem>>
      %dma_wait3A_241 = arith.constant 0 : i32
      %dma_wait3A_242 = tpu.memref_slice %arg5[%dma_wait3A_235, %dma_wait3A_241] : memref<12x128xi32, #tpu.memory_space<vmem>> -> memref<1x128xi32, #tpu.memory_space<vmem>>
      %dma_wait3A_243 = tpu.memref_squeeze %dma_wait3A_242 : memref<1x128xi32, #tpu.memory_space<vmem>> -> memref<128xi32, #tpu.memory_space<vmem>>
      %dma_wait3A_244 = arith.constant 0 : i32
      %dma_wait3A_245 = arith.constant 0 : i32
      %dma_wait3A_246 = tpu.memref_slice %arg2[%dma_wait3A_244, %dma_wait3A_245] : memref<1966080x32xf32, #tpu.memory_space<hbm>> -> memref<1966080x32xf32, #tpu.memory_space<hbm>>
      tpu.wait_indirect_dma semaphore(%arg8 : memref<!tpu.dma_semaphore, #tpu.memory_space<semaphore_mem>>) src(%dma_wait3A_246 : memref<1966080x32xf32, #tpu.memory_space<hbm>>) dst(%dma_wait3A_240 : memref<128x32xf32, #tpu.memory_space<vmem>>)
      %dma_wait3A_247 = arith.constant 7 : i32
      %dma_wait3A_248 = arith.constant 7 : i32
      %dma_wait3A_249 = arith.constant 0 : i32
      %dma_wait3A_250 = arith.constant 0 : i32
      %dma_wait3A_251 = tpu.memref_slice %arg6[%dma_wait3A_248, %dma_wait3A_249, %dma_wait3A_250] : memref<12x128x32xf32, #tpu.memory_space<vmem>> -> memref<1x128x32xf32, #tpu.memory_space<vmem>>
      %dma_wait3A_252 = tpu.memref_squeeze %dma_wait3A_251 : memref<1x128x32xf32, #tpu.memory_space<vmem>> -> memref<128x32xf32, #tpu.memory_space<vmem>>
      %dma_wait3A_253 = arith.constant 0 : i32
      %dma_wait3A_254 = tpu.memref_slice %arg5[%dma_wait3A_247, %dma_wait3A_253] : memref<12x128xi32, #tpu.memory_space<vmem>> -> memref<1x128xi32, #tpu.memory_space<vmem>>
      %dma_wait3A_255 = tpu.memref_squeeze %dma_wait3A_254 : memref<1x128xi32, #tpu.memory_space<vmem>> -> memref<128xi32, #tpu.memory_space<vmem>>
      %dma_wait3A_256 = arith.constant 0 : i32
      %dma_wait3A_257 = arith.constant 0 : i32
      %dma_wait3A_258 = tpu.memref_slice %arg2[%dma_wait3A_256, %dma_wait3A_257] : memref<1966080x32xf32, #tpu.memory_space<hbm>> -> memref<1966080x32xf32, #tpu.memory_space<hbm>>
      tpu.wait_indirect_dma semaphore(%arg8 : memref<!tpu.dma_semaphore, #tpu.memory_space<semaphore_mem>>) src(%dma_wait3A_258 : memref<1966080x32xf32, #tpu.memory_space<hbm>>) dst(%dma_wait3A_252 : memref<128x32xf32, #tpu.memory_space<vmem>>)
      %dma_wait3A_259 = arith.constant 8 : i32
      %dma_wait3A_260 = arith.constant 8 : i32
      %dma_wait3A_261 = arith.constant 0 : i32
      %dma_wait3A_262 = arith.constant 0 : i32
      %dma_wait3A_263 = tpu.memref_slice %arg6[%dma_wait3A_260, %dma_wait3A_261, %dma_wait3A_262] : memref<12x128x32xf32, #tpu.memory_space<vmem>> -> memref<1x128x32xf32, #tpu.memory_space<vmem>>
      %dma_wait3A_264 = tpu.memref_squeeze %dma_wait3A_263 : memref<1x128x32xf32, #tpu.memory_space<vmem>> -> memref<128x32xf32, #tpu.memory_space<vmem>>
      %dma_wait3A_265 = arith.constant 0 : i32
      %dma_wait3A_266 = tpu.memref_slice %arg5[%dma_wait3A_259, %dma_wait3A_265] : memref<12x128xi32, #tpu.memory_space<vmem>> -> memref<1x128xi32, #tpu.memory_space<vmem>>
      %dma_wait3A_267 = tpu.memref_squeeze %dma_wait3A_266 : memref<1x128xi32, #tpu.memory_space<vmem>> -> memref<128xi32, #tpu.memory_space<vmem>>
      %dma_wait3A_268 = arith.constant 0 : i32
      %dma_wait3A_269 = arith.constant 0 : i32
      %dma_wait3A_270 = tpu.memref_slice %arg2[%dma_wait3A_268, %dma_wait3A_269] : memref<1966080x32xf32, #tpu.memory_space<hbm>> -> memref<1966080x32xf32, #tpu.memory_space<hbm>>
      tpu.wait_indirect_dma semaphore(%arg8 : memref<!tpu.dma_semaphore, #tpu.memory_space<semaphore_mem>>) src(%dma_wait3A_270 : memref<1966080x32xf32, #tpu.memory_space<hbm>>) dst(%dma_wait3A_264 : memref<128x32xf32, #tpu.memory_space<vmem>>)
      %dma_wait3A_271 = arith.constant 9 : i32
      %dma_wait3A_272 = arith.constant 9 : i32
      %dma_wait3A_273 = arith.constant 0 : i32
      %dma_wait3A_274 = arith.constant 0 : i32
      %dma_wait3A_275 = tpu.memref_slice %arg6[%dma_wait3A_272, %dma_wait3A_273, %dma_wait3A_274] : memref<12x128x32xf32, #tpu.memory_space<vmem>> -> memref<1x128x32xf32, #tpu.memory_space<vmem>>
      %dma_wait3A_276 = tpu.memref_squeeze %dma_wait3A_275 : memref<1x128x32xf32, #tpu.memory_space<vmem>> -> memref<128x32xf32, #tpu.memory_space<vmem>>
      %dma_wait3A_277 = arith.constant 0 : i32
      %dma_wait3A_278 = tpu.memref_slice %arg5[%dma_wait3A_271, %dma_wait3A_277] : memref<12x128xi32, #tpu.memory_space<vmem>> -> memref<1x128xi32, #tpu.memory_space<vmem>>
      %dma_wait3A_279 = tpu.memref_squeeze %dma_wait3A_278 : memref<1x128xi32, #tpu.memory_space<vmem>> -> memref<128xi32, #tpu.memory_space<vmem>>
      %dma_wait3A_280 = arith.constant 0 : i32
      %dma_wait3A_281 = arith.constant 0 : i32
      %dma_wait3A_282 = tpu.memref_slice %arg2[%dma_wait3A_280, %dma_wait3A_281] : memref<1966080x32xf32, #tpu.memory_space<hbm>> -> memref<1966080x32xf32, #tpu.memory_space<hbm>>
      tpu.wait_indirect_dma semaphore(%arg8 : memref<!tpu.dma_semaphore, #tpu.memory_space<semaphore_mem>>) src(%dma_wait3A_282 : memref<1966080x32xf32, #tpu.memory_space<hbm>>) dst(%dma_wait3A_276 : memref<128x32xf32, #tpu.memory_space<vmem>>)
      %dma_wait3A_283 = arith.constant 10 : i32
      %dma_wait3A_284 = arith.constant 10 : i32
      %dma_wait3A_285 = arith.constant 0 : i32
      %dma_wait3A_286 = arith.constant 0 : i32
      %dma_wait3A_287 = tpu.memref_slice %arg6[%dma_wait3A_284, %dma_wait3A_285, %dma_wait3A_286] : memref<12x128x32xf32, #tpu.memory_space<vmem>> -> memref<1x128x32xf32, #tpu.memory_space<vmem>>
      %dma_wait3A_288 = tpu.memref_squeeze %dma_wait3A_287 : memref<1x128x32xf32, #tpu.memory_space<vmem>> -> memref<128x32xf32, #tpu.memory_space<vmem>>
      %dma_wait3A_289 = arith.constant 0 : i32
      %dma_wait3A_290 = tpu.memref_slice %arg5[%dma_wait3A_283, %dma_wait3A_289] : memref<12x128xi32, #tpu.memory_space<vmem>> -> memref<1x128xi32, #tpu.memory_space<vmem>>
      %dma_wait3A_291 = tpu.memref_squeeze %dma_wait3A_290 : memref<1x128xi32, #tpu.memory_space<vmem>> -> memref<128xi32, #tpu.memory_space<vmem>>
      %dma_wait3A_292 = arith.constant 0 : i32
      %dma_wait3A_293 = arith.constant 0 : i32
      %dma_wait3A_294 = tpu.memref_slice %arg2[%dma_wait3A_292, %dma_wait3A_293] : memref<1966080x32xf32, #tpu.memory_space<hbm>> -> memref<1966080x32xf32, #tpu.memory_space<hbm>>
      tpu.wait_indirect_dma semaphore(%arg8 : memref<!tpu.dma_semaphore, #tpu.memory_space<semaphore_mem>>) src(%dma_wait3A_294 : memref<1966080x32xf32, #tpu.memory_space<hbm>>) dst(%dma_wait3A_288 : memref<128x32xf32, #tpu.memory_space<vmem>>)
      %dma_wait3A_295 = arith.constant 11 : i32
      %dma_wait3A_296 = arith.constant 11 : i32
      %dma_wait3A_297 = arith.constant 0 : i32
      %dma_wait3A_298 = arith.constant 0 : i32
      %dma_wait3A_299 = tpu.memref_slice %arg6[%dma_wait3A_296, %dma_wait3A_297, %dma_wait3A_298] : memref<12x128x32xf32, #tpu.memory_space<vmem>> -> memref<1x128x32xf32, #tpu.memory_space<vmem>>
      %dma_wait3A_300 = tpu.memref_squeeze %dma_wait3A_299 : memref<1x128x32xf32, #tpu.memory_space<vmem>> -> memref<128x32xf32, #tpu.memory_space<vmem>>
      %dma_wait3A_301 = arith.constant 0 : i32
      %dma_wait3A_302 = tpu.memref_slice %arg5[%dma_wait3A_295, %dma_wait3A_301] : memref<12x128xi32, #tpu.memory_space<vmem>> -> memref<1x128xi32, #tpu.memory_space<vmem>>
      %dma_wait3A_303 = tpu.memref_squeeze %dma_wait3A_302 : memref<1x128xi32, #tpu.memory_space<vmem>> -> memref<128xi32, #tpu.memory_space<vmem>>
      %dma_wait3A_304 = arith.constant 0 : i32
      %dma_wait3A_305 = arith.constant 0 : i32
      %dma_wait3A_306 = tpu.memref_slice %arg2[%dma_wait3A_304, %dma_wait3A_305] : memref<1966080x32xf32, #tpu.memory_space<hbm>> -> memref<1966080x32xf32, #tpu.memory_space<hbm>>
      tpu.wait_indirect_dma semaphore(%arg8 : memref<!tpu.dma_semaphore, #tpu.memory_space<semaphore_mem>>) src(%dma_wait3A_306 : memref<1966080x32xf32, #tpu.memory_space<hbm>>) dst(%dma_wait3A_300 : memref<128x32xf32, #tpu.memory_space<vmem>>)
      %scan3A_307 = arith.constant 0 : i32
      %scan3A_308 = arith.constant 0 : i32
      %scan3A_309 = arith.constant 128 : i32
      %scan3A_310 = arith.addi %scan3A_308, %scan3A_309 : i32
      %scan3A_311 = arith.constant 1 : i32
      %scan3A_312 = scf.for %scan3A_316 = %scan3A_308 to %scan3A_310 step %scan3A_311 iter_args(%scan3A_317 = %scan3A_307) -> (i32)  : i32 {
        %get3A = arith.constant 0 : i32
        %get3A_318 = arith.index_cast %get3A : i32 to index
        %get3A_319 = arith.index_cast %scan3A_316 : i32 to index
        %get3A_320 = arith.constant 0 : index
        %get3A_321 = tpu.vector_load %arg6[%get3A_318, %get3A_319, %get3A_320] {strides = array<i32>} : memref<12x128x32xf32, #tpu.memory_space<vmem>>, vector<1x1x16xf32>,
        %get3A_322 = vector.shape_cast %get3A_321 : vector<1x1x16xf32> to vector<16xf32>
        %get3A_323 = arith.constant 1 : i32
        %get3A_324 = arith.index_cast %get3A_323 : i32 to index
        %get3A_325 = arith.index_cast %scan3A_316 : i32 to index
        %get3A_326 = arith.constant 0 : index
        %get3A_327 = tpu.vector_load %arg6[%get3A_324, %get3A_325, %get3A_326] {strides = array<i32>} : memref<12x128x32xf32, #tpu.memory_space<vmem>>, vector<1x1x16xf32>,
        %get3A_328 = vector.shape_cast %get3A_327 : vector<1x1x16xf32> to vector<16xf32>
        %add3A_329 = arith.addf %get3A_322, %get3A_328 : vector<16xf32>
        %get3A_330 = arith.constant 2 : i32
        %get3A_331 = arith.index_cast %get3A_330 : i32 to index
        %get3A_332 = arith.index_cast %scan3A_316 : i32 to index
        %get3A_333 = arith.constant 0 : index
        %get3A_334 = tpu.vector_load %arg6[%get3A_331, %get3A_332, %get3A_333] {strides = array<i32>} : memref<12x128x32xf32, #tpu.memory_space<vmem>>, vector<1x1x16xf32>,
        %get3A_335 = vector.shape_cast %get3A_334 : vector<1x1x16xf32> to vector<16xf32>
        %add3A_336 = arith.addf %add3A_329, %get3A_335 : vector<16xf32>
        %get3A_337 = arith.constant 3 : i32
        %get3A_338 = arith.index_cast %get3A_337 : i32 to index
        %get3A_339 = arith.index_cast %scan3A_316 : i32 to index
        %get3A_340 = arith.constant 0 : index
        %get3A_341 = tpu.vector_load %arg6[%get3A_338, %get3A_339, %get3A_340] {strides = array<i32>} : memref<12x128x32xf32, #tpu.memory_space<vmem>>, vector<1x1x16xf32>,
        %get3A_342 = vector.shape_cast %get3A_341 : vector<1x1x16xf32> to vector<16xf32>
        %add3A_343 = arith.addf %add3A_336, %get3A_342 : vector<16xf32>
        %get3A_344 = arith.constant 4 : i32
        %get3A_345 = arith.index_cast %get3A_344 : i32 to index
        %get3A_346 = arith.index_cast %scan3A_316 : i32 to index
        %get3A_347 = arith.constant 0 : index
        %get3A_348 = tpu.vector_load %arg6[%get3A_345, %get3A_346, %get3A_347] {strides = array<i32>} : memref<12x128x32xf32, #tpu.memory_space<vmem>>, vector<1x1x16xf32>,
        %get3A_349 = vector.shape_cast %get3A_348 : vector<1x1x16xf32> to vector<16xf32>
        %add3A_350 = arith.addf %add3A_343, %get3A_349 : vector<16xf32>
        %get3A_351 = arith.constant 5 : i32
        %get3A_352 = arith.index_cast %get3A_351 : i32 to index
        %get3A_353 = arith.index_cast %scan3A_316 : i32 to index
        %get3A_354 = arith.constant 0 : index
        %get3A_355 = tpu.vector_load %arg6[%get3A_352, %get3A_353, %get3A_354] {strides = array<i32>} : memref<12x128x32xf32, #tpu.memory_space<vmem>>, vector<1x1x16xf32>,
        %get3A_356 = vector.shape_cast %get3A_355 : vector<1x1x16xf32> to vector<16xf32>
        %add3A_357 = arith.addf %add3A_350, %get3A_356 : vector<16xf32>
        %get3A_358 = arith.constant 6 : i32
        %get3A_359 = arith.index_cast %get3A_358 : i32 to index
        %get3A_360 = arith.index_cast %scan3A_316 : i32 to index
        %get3A_361 = arith.constant 0 : index
        %get3A_362 = tpu.vector_load %arg6[%get3A_359, %get3A_360, %get3A_361] {strides = array<i32>} : memref<12x128x32xf32, #tpu.memory_space<vmem>>, vector<1x1x16xf32>,
        %get3A_363 = vector.shape_cast %get3A_362 : vector<1x1x16xf32> to vector<16xf32>
        %add3A_364 = arith.addf %add3A_357, %get3A_363 : vector<16xf32>
        %get3A_365 = arith.constant 7 : i32
        %get3A_366 = arith.index_cast %get3A_365 : i32 to index
        %get3A_367 = arith.index_cast %scan3A_316 : i32 to index
        %get3A_368 = arith.constant 0 : index
        %get3A_369 = tpu.vector_load %arg6[%get3A_366, %get3A_367, %get3A_368] {strides = array<i32>} : memref<12x128x32xf32, #tpu.memory_space<vmem>>, vector<1x1x16xf32>,
        %get3A_370 = vector.shape_cast %get3A_369 : vector<1x1x16xf32> to vector<16xf32>
        %add3A_371 = arith.addf %add3A_364, %get3A_370 : vector<16xf32>
        %get3A_372 = arith.constant 8 : i32
        %get3A_373 = arith.index_cast %get3A_372 : i32 to index
        %get3A_374 = arith.index_cast %scan3A_316 : i32 to index
        %get3A_375 = arith.constant 0 : index
        %get3A_376 = tpu.vector_load %arg6[%get3A_373, %get3A_374, %get3A_375] {strides = array<i32>} : memref<12x128x32xf32, #tpu.memory_space<vmem>>, vector<1x1x16xf32>,
        %get3A_377 = vector.shape_cast %get3A_376 : vector<1x1x16xf32> to vector<16xf32>
        %add3A_378 = arith.addf %add3A_371, %get3A_377 : vector<16xf32>
        %get3A_379 = arith.constant 9 : i32
        %get3A_380 = arith.index_cast %get3A_379 : i32 to index
        %get3A_381 = arith.index_cast %scan3A_316 : i32 to index
        %get3A_382 = arith.constant 0 : index
        %get3A_383 = tpu.vector_load %arg6[%get3A_380, %get3A_381, %get3A_382] {strides = array<i32>} : memref<12x128x32xf32, #tpu.memory_space<vmem>>, vector<1x1x16xf32>,
        %get3A_384 = vector.shape_cast %get3A_383 : vector<1x1x16xf32> to vector<16xf32>
        %add3A_385 = arith.addf %add3A_378, %get3A_384 : vector<16xf32>
        %get3A_386 = arith.constant 10 : i32
        %get3A_387 = arith.index_cast %get3A_386 : i32 to index
        %get3A_388 = arith.index_cast %scan3A_316 : i32 to index
        %get3A_389 = arith.constant 0 : index
        %get3A_390 = tpu.vector_load %arg6[%get3A_387, %get3A_388, %get3A_389] {strides = array<i32>} : memref<12x128x32xf32, #tpu.memory_space<vmem>>, vector<1x1x16xf32>,
        %get3A_391 = vector.shape_cast %get3A_390 : vector<1x1x16xf32> to vector<16xf32>
        %add3A_392 = arith.addf %add3A_385, %get3A_391 : vector<16xf32>
        %get3A_393 = arith.constant 11 : i32
        %get3A_394 = arith.index_cast %get3A_393 : i32 to index
        %get3A_395 = arith.index_cast %scan3A_316 : i32 to index
        %get3A_396 = arith.constant 0 : index
        %get3A_397 = tpu.vector_load %arg6[%get3A_394, %get3A_395, %get3A_396] {strides = array<i32>} : memref<12x128x32xf32, #tpu.memory_space<vmem>>, vector<1x1x16xf32>,
        %get3A_398 = vector.shape_cast %get3A_397 : vector<1x1x16xf32> to vector<16xf32>
        %add3A_399 = arith.addf %add3A_392, %get3A_398 : vector<16xf32>
        %mul3A_400 = arith.constant 0.0833333358 : f32
        %mul3A_401 = vector.broadcast %mul3A_400 : f32 to vector<16xf32>
        %mul3A_402 = arith.mulf %add3A_399, %mul3A_401 : vector<16xf32>
        %swap3A = arith.index_cast %scan3A_316 : i32 to index
        %swap3A_403 = arith.constant 0 : index
        %swap3A_404 = tpu.vector_load %arg7[%swap3A, %swap3A_403] {strides = array<i32>} : memref<128x32xf32, #tpu.memory_space<vmem>>, vector<1x16xf32>,
        %swap3A_405 = vector.shape_cast %swap3A_404 : vector<1x16xf32> to vector<16xf32>
        %swap3A_406 = vector.shape_cast %mul3A_402 : vector<16xf32> to vector<1x16xf32>
        tpu.vector_store %arg7[%swap3A, %swap3A_403], %swap3A_406 {strides = array<i32>} : memref<128x32xf32, #tpu.memory_space<vmem>>, vector<1x16xf32>,
        %get3A_407 = arith.constant 0 : i32
        %get3A_408 = arith.index_cast %get3A_407 : i32 to index
        %get3A_409 = arith.index_cast %scan3A_316 : i32 to index
        %get3A_410 = arith.constant 16 : index
        %get3A_411 = tpu.vector_load %arg6[%get3A_408, %get3A_409, %get3A_410] {strides = array<i32>} : memref<12x128x32xf32, #tpu.memory_space<vmem>>, vector<1x1x16xf32>,
        %get3A_412 = vector.shape_cast %get3A_411 : vector<1x1x16xf32> to vector<16xf32>
        %get3A_413 = arith.constant 1 : i32
        %get3A_414 = arith.index_cast %get3A_413 : i32 to index
        %get3A_415 = arith.index_cast %scan3A_316 : i32 to index
        %get3A_416 = arith.constant 16 : index
        %get3A_417 = tpu.vector_load %arg6[%get3A_414, %get3A_415, %get3A_416] {strides = array<i32>} : memref<12x128x32xf32, #tpu.memory_space<vmem>>, vector<1x1x16xf32>,
        %get3A_418 = vector.shape_cast %get3A_417 : vector<1x1x16xf32> to vector<16xf32>
        %add3A_419 = arith.addf %get3A_412, %get3A_418 : vector<16xf32>
        %get3A_420 = arith.constant 2 : i32
        %get3A_421 = arith.index_cast %get3A_420 : i32 to index
        %get3A_422 = arith.index_cast %scan3A_316 : i32 to index
        %get3A_423 = arith.constant 16 : index
        %get3A_424 = tpu.vector_load %arg6[%get3A_421, %get3A_422, %get3A_423] {strides = array<i32>} : memref<12x128x32xf32, #tpu.memory_space<vmem>>, vector<1x1x16xf32>,
        %get3A_425 = vector.shape_cast %get3A_424 : vector<1x1x16xf32> to vector<16xf32>
        %add3A_426 = arith.addf %add3A_419, %get3A_425 : vector<16xf32>
        %get3A_427 = arith.constant 3 : i32
        %get3A_428 = arith.index_cast %get3A_427 : i32 to index
        %get3A_429 = arith.index_cast %scan3A_316 : i32 to index
        %get3A_430 = arith.constant 16 : index
        %get3A_431 = tpu.vector_load %arg6[%get3A_428, %get3A_429, %get3A_430] {strides = array<i32>} : memref<12x128x32xf32, #tpu.memory_space<vmem>>, vector<1x1x16xf32>,
        %get3A_432 = vector.shape_cast %get3A_431 : vector<1x1x16xf32> to vector<16xf32>
        %add3A_433 = arith.addf %add3A_426, %get3A_432 : vector<16xf32>
        %get3A_434 = arith.constant 4 : i32
        %get3A_435 = arith.index_cast %get3A_434 : i32 to index
        %get3A_436 = arith.index_cast %scan3A_316 : i32 to index
        %get3A_437 = arith.constant 16 : index
        %get3A_438 = tpu.vector_load %arg6[%get3A_435, %get3A_436, %get3A_437] {strides = array<i32>} : memref<12x128x32xf32, #tpu.memory_space<vmem>>, vector<1x1x16xf32>,
        %get3A_439 = vector.shape_cast %get3A_438 : vector<1x1x16xf32> to vector<16xf32>
        %add3A_440 = arith.addf %add3A_433, %get3A_439 : vector<16xf32>
        %get3A_441 = arith.constant 5 : i32
        %get3A_442 = arith.index_cast %get3A_441 : i32 to index
        %get3A_443 = arith.index_cast %scan3A_316 : i32 to index
        %get3A_444 = arith.constant 16 : index
        %get3A_445 = tpu.vector_load %arg6[%get3A_442, %get3A_443, %get3A_444] {strides = array<i32>} : memref<12x128x32xf32, #tpu.memory_space<vmem>>, vector<1x1x16xf32>,
        %get3A_446 = vector.shape_cast %get3A_445 : vector<1x1x16xf32> to vector<16xf32>
        %add3A_447 = arith.addf %add3A_440, %get3A_446 : vector<16xf32>
        %get3A_448 = arith.constant 6 : i32
        %get3A_449 = arith.index_cast %get3A_448 : i32 to index
        %get3A_450 = arith.index_cast %scan3A_316 : i32 to index
        %get3A_451 = arith.constant 16 : index
        %get3A_452 = tpu.vector_load %arg6[%get3A_449, %get3A_450, %get3A_451] {strides = array<i32>} : memref<12x128x32xf32, #tpu.memory_space<vmem>>, vector<1x1x16xf32>,
        %get3A_453 = vector.shape_cast %get3A_452 : vector<1x1x16xf32> to vector<16xf32>
        %add3A_454 = arith.addf %add3A_447, %get3A_453 : vector<16xf32>
        %get3A_455 = arith.constant 7 : i32
        %get3A_456 = arith.index_cast %get3A_455 : i32 to index
        %get3A_457 = arith.index_cast %scan3A_316 : i32 to index
        %get3A_458 = arith.constant 16 : index
        %get3A_459 = tpu.vector_load %arg6[%get3A_456, %get3A_457, %get3A_458] {strides = array<i32>} : memref<12x128x32xf32, #tpu.memory_space<vmem>>, vector<1x1x16xf32>,
        %get3A_460 = vector.shape_cast %get3A_459 : vector<1x1x16xf32> to vector<16xf32>
        %add3A_461 = arith.addf %add3A_454, %get3A_460 : vector<16xf32>
        %get3A_462 = arith.constant 8 : i32
        %get3A_463 = arith.index_cast %get3A_462 : i32 to index
        %get3A_464 = arith.index_cast %scan3A_316 : i32 to index
        %get3A_465 = arith.constant 16 : index
        %get3A_466 = tpu.vector_load %arg6[%get3A_463, %get3A_464, %get3A_465] {strides = array<i32>} : memref<12x128x32xf32, #tpu.memory_space<vmem>>, vector<1x1x16xf32>,
        %get3A_467 = vector.shape_cast %get3A_466 : vector<1x1x16xf32> to vector<16xf32>
        %add3A_468 = arith.addf %add3A_461, %get3A_467 : vector<16xf32>
        %get3A_469 = arith.constant 9 : i32
        %get3A_470 = arith.index_cast %get3A_469 : i32 to index
        %get3A_471 = arith.index_cast %scan3A_316 : i32 to index
        %get3A_472 = arith.constant 16 : index
        %get3A_473 = tpu.vector_load %arg6[%get3A_470, %get3A_471, %get3A_472] {strides = array<i32>} : memref<12x128x32xf32, #tpu.memory_space<vmem>>, vector<1x1x16xf32>,
        %get3A_474 = vector.shape_cast %get3A_473 : vector<1x1x16xf32> to vector<16xf32>
        %add3A_475 = arith.addf %add3A_468, %get3A_474 : vector<16xf32>
        %get3A_476 = arith.constant 10 : i32
        %get3A_477 = arith.index_cast %get3A_476 : i32 to index
        %get3A_478 = arith.index_cast %scan3A_316 : i32 to index
        %get3A_479 = arith.constant 16 : index
        %get3A_480 = tpu.vector_load %arg6[%get3A_477, %get3A_478, %get3A_479] {strides = array<i32>} : memref<12x128x32xf32, #tpu.memory_space<vmem>>, vector<1x1x16xf32>,
        %get3A_481 = vector.shape_cast %get3A_480 : vector<1x1x16xf32> to vector<16xf32>
        %add3A_482 = arith.addf %add3A_475, %get3A_481 : vector<16xf32>
        %get3A_483 = arith.constant 11 : i32
        %get3A_484 = arith.index_cast %get3A_483 : i32 to index
        %get3A_485 = arith.index_cast %scan3A_316 : i32 to index
        %get3A_486 = arith.constant 16 : index
        %get3A_487 = tpu.vector_load %arg6[%get3A_484, %get3A_485, %get3A_486] {strides = array<i32>} : memref<12x128x32xf32, #tpu.memory_space<vmem>>, vector<1x1x16xf32>,
        %get3A_488 = vector.shape_cast %get3A_487 : vector<1x1x16xf32> to vector<16xf32>
        %add3A_489 = arith.addf %add3A_482, %get3A_488 : vector<16xf32>
        %mul3A_490 = arith.constant 0.0833333358 : f32
        %mul3A_491 = vector.broadcast %mul3A_490 : f32 to vector<16xf32>
        %mul3A_492 = arith.mulf %add3A_489, %mul3A_491 : vector<16xf32>
        %swap3A_493 = arith.index_cast %scan3A_316 : i32 to index
        %swap3A_494 = arith.constant 16 : index
        %swap3A_495 = tpu.vector_load %arg7[%swap3A_493, %swap3A_494] {strides = array<i32>} : memref<128x32xf32, #tpu.memory_space<vmem>>, vector<1x16xf32>,
        %swap3A_496 = vector.shape_cast %swap3A_495 : vector<1x16xf32> to vector<16xf32>
        %swap3A_497 = vector.shape_cast %mul3A_492 : vector<16xf32> to vector<1x16xf32>
        tpu.vector_store %arg7[%swap3A_493, %swap3A_494], %swap3A_497 {strides = array<i32>} : memref<128x32xf32, #tpu.memory_space<vmem>>, vector<1x16xf32>,
        %scan3A_498 = arith.constant 0 : i32
        scf.yield %scan3A_498 : i32
      }
      %scan3A_313 = arith.constant 128 : i32
      %run_scoped3A_314 = arith.constant 1 : i32
      "tpu.region"() ({
        %run_scoped3A_316 = tpu.sem_alloc : memref<!tpu.dma_semaphore, #tpu.memory_space<semaphore_mem>>
        %dma_start3A_317 = arith.constant 0 : i32
        %dma_start3A_318 = tpu.memref_slice %arg4[%run_scoped3A_314, %mul3A_20, %dma_start3A_317] : memref<2x143360x32xf32, #tpu.memory_space<hbm>> -> memref<1x128x32xf32, #tpu.memory_space<hbm>>
        %dma_start3A_319 = tpu.memref_squeeze %dma_start3A_318 : memref<1x128x32xf32, #tpu.memory_space<hbm>> -> memref<128x32xf32, #tpu.memory_space<hbm>>
        %dma_start3A_320 = arith.constant 0 : i32
        %dma_start3A_321 = tpu.memref_slice %arg4[%run_scoped3A_314, %mul3A_20, %dma_start3A_320] : memref<2x143360x32xf32, #tpu.memory_space<hbm>> -> memref<1x128x32xf32, #tpu.memory_space<hbm>>
        %dma_start3A_322 = tpu.memref_squeeze %dma_start3A_321 : memref<1x128x32xf32, #tpu.memory_space<hbm>> -> memref<128x32xf32, #tpu.memory_space<hbm>>
        tpu.enqueue_dma source(%arg7 : memref<128x32xf32, #tpu.memory_space<vmem>>) target(%dma_start3A_322 : memref<128x32xf32, #tpu.memory_space<hbm>>) target_semaphore(%run_scoped3A_316 : memref<!tpu.dma_semaphore, #tpu.memory_space<semaphore_mem>>)
        %dma_wait3A_323 = arith.constant 0 : i32
        %dma_wait3A_324 = tpu.memref_slice %arg4[%run_scoped3A_314, %mul3A_20, %dma_wait3A_323] : memref<2x143360x32xf32, #tpu.memory_space<hbm>> -> memref<1x128x32xf32, #tpu.memory_space<hbm>>
        %dma_wait3A_325 = tpu.memref_squeeze %dma_wait3A_324 : memref<1x128x32xf32, #tpu.memory_space<hbm>> -> memref<128x32xf32, #tpu.memory_space<hbm>>
        %dma_wait3A_326 = arith.constant 0 : i32
        %dma_wait3A_327 = tpu.memref_slice %arg4[%run_scoped3A_314, %mul3A_20, %dma_wait3A_326] : memref<2x143360x32xf32, #tpu.memory_space<hbm>> -> memref<1x128x32xf32, #tpu.memory_space<hbm>>
        %dma_wait3A_328 = tpu.memref_squeeze %dma_wait3A_327 : memref<1x128x32xf32, #tpu.memory_space<hbm>> -> memref<128x32xf32, #tpu.memory_space<hbm>>
        tpu.wait_dma2 semaphore(%run_scoped3A_316 : memref<!tpu.dma_semaphore, #tpu.memory_space<semaphore_mem>>) src(%arg7 : memref<128x32xf32, #tpu.memory_space<vmem>>) dst(%dma_wait3A_328 : memref<128x32xf32, #tpu.memory_space<hbm>>)
        tpu.yield
      }) : () -> ()
      %scan3A_315 = arith.constant 0 : i32
      scf.yield %scan3A_315 : i32
    }
    %scan3A_13 = arith.constant 35 : i32
    return
  }
}

module attributes {stable_mosaic.version = 14 : i64} {
  func.func @_pack_block(%arg0: i32, %arg1: i32, %arg2: memref<1x23x4096xf32, #tpu.memory_space<vmem>>, %arg3: memref<1024x128xf32, #tpu.memory_space<vmem>>) attributes {dimension_semantics = [#tpu.dimension_semantics<arbitrary>, #tpu.dimension_semantics<arbitrary>], iteration_bounds = array<i64: 24, 20>, scalar_prefetch = 0 : i64, scratch_operands = 0 : i64, tpu.core_type = #tpu.core_type<tc>, window_params = [{transform_indices = @transform_0, window_bounds = array<i64: 1, 23, 4096>}, {transform_indices = @transform_1, window_bounds = array<i64: 1024, 128>}]} {
    %get3A = arith.constant 0 : index
    %get3A_0 = arith.constant 0 : index
    %get3A_1 = arith.constant 0 : index
    %get3A_2 = vector.load %arg2[%get3A, %get3A_0, %get3A_1] : memref<1x23x4096xf32, #tpu.memory_space<vmem>>, vector<1x23x4096xf32>
    %get3A_3 = vector.shape_cast %get3A_2 : vector<1x23x4096xf32> to vector<23x4096xf32>
    %broadcast_in_dim3A = arith.constant 0.000000e+00 : f32
    %broadcast_in_dim3A_4 = vector.broadcast %broadcast_in_dim3A : f32 to vector<9x4096xf32>
    %concatenate3A = tpu.concatenate %get3A_3, %broadcast_in_dim3A_4 in 0 : vector<23x4096xf32>, vector<9x4096xf32> -> vector<32x4096xf32>
    %slice3A = vector.extract_strided_slice %concatenate3A {offsets = [0, 0], sizes = [32, 1024], strides = [1, 1]} : vector<32x4096xf32> to vector<32x1024xf32>
    %transpose3A = tpu.transpose %slice3A, [1, 0] : vector<32x1024xf32> -> vector<1024x32xf32>
    %slice3A_5 = vector.extract_strided_slice %concatenate3A {offsets = [0, 1024], sizes = [32, 1024], strides = [1, 1]} : vector<32x4096xf32> to vector<32x1024xf32>
    %transpose3A_6 = tpu.transpose %slice3A_5, [1, 0] : vector<32x1024xf32> -> vector<1024x32xf32>
    %slice3A_7 = vector.extract_strided_slice %concatenate3A {offsets = [0, 2048], sizes = [32, 1024], strides = [1, 1]} : vector<32x4096xf32> to vector<32x1024xf32>
    %transpose3A_8 = tpu.transpose %slice3A_7, [1, 0] : vector<32x1024xf32> -> vector<1024x32xf32>
    %slice3A_9 = vector.extract_strided_slice %concatenate3A {offsets = [0, 3072], sizes = [32, 1024], strides = [1, 1]} : vector<32x4096xf32> to vector<32x1024xf32>
    %transpose3A_10 = tpu.transpose %slice3A_9, [1, 0] : vector<32x1024xf32> -> vector<1024x32xf32>
    %concatenate3A_11 = tpu.concatenate %transpose3A, %transpose3A_6, %transpose3A_8, %transpose3A_10 in 1 : vector<1024x32xf32>, vector<1024x32xf32>, vector<1024x32xf32>, vector<1024x32xf32> -> vector<1024x128xf32>
    %swap3A = arith.constant 0 : index
    %swap3A_12 = arith.constant 0 : index
    %swap3A_13 = vector.load %arg3[%swap3A, %swap3A_12] : memref<1024x128xf32, #tpu.memory_space<vmem>>, vector<1024x128xf32>
    tpu.vector_store %arg3[%swap3A, %swap3A_12], %concatenate3A_11 {strides = array<i32>} : memref<1024x128xf32, #tpu.memory_space<vmem>>, vector<1024x128xf32>,
    return
  }
  func.func @transform_0(%arg0: i32, %arg1: i32) -> (i32, i32, i32) {
    %c0_i32 = arith.constant 0 : i32
    %c0_i32_0 = arith.constant 0 : i32
    return %arg0, %c0_i32, %arg1 : i32, i32, i32
  }
  func.func @transform_1(%arg0: i32, %arg1: i32) -> (i32, i32) {
    %mul3A = arith.constant 20 : i32
    %mul3A_0 = arith.muli %arg0, %mul3A : i32
    %add3A = arith.addi %mul3A_0, %arg1 : i32
    %c0_i32 = arith.constant 0 : i32
    %c0_i32_1 = arith.constant 0 : i32
    return %add3A, %c0_i32 : i32, i32
  }
}

</mosaic_0001>

<sc_bundles>
// kernel: kernel.4.cloned.1.call-start
scs
__scs_entry_jumppad:
0x0: {  	(pc) =	sbr.rel $0x88, $3  }
0x1: {  	(tag) =	ssettag $0x0;
	lr =	simm.s32 $0x1  }
0x2: {  	[smem:$0x3F9E] =	sst lr;
	_ =	strace $0xD0000000  }
0x3: {  	_ = 	snop  }
0x4: {  	_ = 	snop  }
0x5: {  	_ = 	snop  }
0x6: {  	_ = 	snop  }
0x7: {  	_ = 	snop  }
__scs_overlays_trampoline_lowered:
0x8: {  	[smem:$0x3FAD] =	sst s0  }
0x9: {  	[smem:$0x3FAE] =	sst s1  }
0xa: {  	[smem:$0x3FAF] =	sst s2  }
0xb: {  	[smem:$0x3FB0] =	sst s3  }
0xc: {  	[smem:$0x3FB1] =	sst s4  }
0xd: {  	[smem:$0x3FB2] =	sst s5  }
0xe: {  	[smem:$0x3FB3] =	sst s6  }
0xf: {  	[smem:$0x3FB4] =	sst s7  }
0x10: {  	[smem:$0x3FB5] =	sst s8  }
0x11: {  	[smem:$0x3FB6] =	sst s9;
	s0 =	simm.s32 @!p0 $0x0  }
0x12: {  	s1 =	sld [smem:$0x3F9C];
	s0 =	simm.s32 @p0 $0x1  }
0x13: {  	[smem:$0x3FB7] =	sst s0;
	s0 =	simm.s32 @!p1 $0x0  }
0x14: {  	s2 =	sld [smem:$0x3F9B];
	s0 =	simm.s32 @p1 $0x1  }
0x15: {  	[smem:$0x3FB8] =	sst s0;
	s0 =	simm.s32 @!p2 $0x0  }
0x16: {  	s3 =	sld [smem:$0x3FDB];
	s0 =	simm.s32 @p2 $0x1  }
0x17: {  	s4 =	simm.s32 $0x1BF5;
	[smem:$0x3FBA] =	sst s0  }
0x18: {  	s0 =	sld [smem:$0x3F9D];
	_ =	swait.ge [sflag:s4], $0x0  }
0x19: {  	s7 =	sld [smem:$0x3F9E]  }
0x1a: {  	s8 =	sadd.s32 $0xFFFFE003, lr  }
0x1b: {  	s9 =	sadd.s32 $0xFFFFFEF7, lr;
	s5 =	simm.s32 $0xFFFFFFFF;
	p2 =	slt.u32 s8, $0xFFFFF086  }
0x1c: {  	p1 =	slt.u32 s9, $0xF7A;
	s5 =	simm.s32 @!p2 $0x0  }
0x1d: {  	s5 =	simm.s32 @p1 $0x1;
	p0 =	seq.s32 s7, s2  }
0x1e: {  	s7 =	smul.u32 @!p0 $0xF7A, s2;
	p2 =	seq.s32 @!p0 s5, $0x0  }
0x1f: {  	s9 =	smul.u32 $0xF7A, s1;
	s8 =	simm.s32 @!p0 $0x1BF5;
	p2 =	por !p2, p0  }
0x20: {  	[sflag:s8] =	ssyncset.s32 @!p0 $0xFFFFF086;
	s6 =	sadd.s32 @!p0 s3, s7;
	s7 =	simm.s32 @!p0 $0x108  }
0x21: {  	s3 =	sadd.s32 s3, s9;
	s6 =	sadd.s32 @!p0 $0x88, s6;
	s7 =	simm.s32 @p2 $0x1082  }
0x22: {  	[simem:s7], [sflag:s8] =	dma.local @!p0 [hbm:s6], $0xF7A  }
0x23: {  	s9 =	sor.u32 $0xD0000000, s2;
	s6 =	simm.s32 $0x108;
	_ =	swait.ge @!p0 [sflag:s8], $0x0  }
0x24: {  	s3 =	sadd.s32 $0x88, s3;
	s6 =	simm.s32 @!p1 $0x1082;
	[sflag:s4] =	ssyncset.s32 $0xFFFFF086  }
0x25: {  	[simem:s6], [sflag:s4] =	dma.local [hbm:s3], $0xF7A  }
0x26: {  	[smem:$0x3F9E] =	sst s1;
	(tag) =	ssettag s2;
	_ =	strace s9  }
0x27: {  	s1 =	sld [smem:$0x3FAE]  }
0x28: {  	s2 =	sld [smem:$0x3FAF]  }
0x29: {  	s4 =	sld [smem:$0x3FB1]  }
0x2a: {  	p0 =	seq.s32 s5, $0x0;
	s5 =	sld [smem:$0x3FB2]  }
0x2b: {  	s6 =	sld [smem:$0x3FB3]  }
0x2c: {  	s7 =	sld [smem:$0x3FB4]  }
0x2d: {  	s3 =	simm.s32 $0x108;
	s8 =	sld [smem:$0x3FB5]  }
0x2e: {  	s3 =	simm.s32 @!p0 $0x1082;
	s9 =	sld [smem:$0x3FB6]  }
0x2f: {  	lr =	sadd.s32 s0, s3;
	s0 =	sld [smem:$0x3FAD]  }
0x30: {  	s3 =	sld [smem:$0x3FB0]  }
0x31: {  	[smem:$0x3FB9] =	sst s10  }
0x32: {  	s10 =	sld [smem:$0x3FB7];
	_ =	sdelay $0x3  }
0x33: {  	p0 =	seq.s32 s10, $0x1;
	s10 =	sld [smem:$0x3FB9];
	_ =	sdelay $0x3  }
0x34: {  	[smem:$0x3FB9] =	sst s10  }
0x35: {  	s10 =	sld [smem:$0x3FB8];
	_ =	sdelay $0x3  }
0x36: {  	p1 =	seq.s32 s10, $0x1;
	s10 =	sld [smem:$0x3FB9];
	_ =	sdelay $0x3  }
0x37: {  	[smem:$0x3FB9] =	sst s10  }
0x38: {  	s10 =	sld [smem:$0x3FBA]  }
0x39: {  	_ = 	snop;
	(pc) =	sbr.ind lr, $3  }
0x3a: {  	_ = 	snop  }
0x3b: {  	_ = 	snop  }
0x3c: {  	p2 =	seq.s32 s10, $0x1;
	s10 =	sld [smem:$0x3FB9]  }
0x3d: {  	_ =	shalt  }
0x3e: {  	_ =	shalt  }
0x3f: {  	_ =	shalt  }
0x40: {  	_ =	shalt  }
0x41: {  	_ =	shalt  }
0x42: {  	_ =	shalt  }
0x43: {  	_ =	shalt  }
0x44: {  	_ =	shalt  }
0x45: {  	_ =	shalt  }
0x46: {  	_ =	shalt  }
0x47: {  	_ =	shalt  }
0x48: {  	_ =	shalt  }
0x49: {  	_ =	shalt  }
0x4a: {  	_ =	shalt  }
0x4b: {  	_ =	shalt  }
0x4c: {  	_ =	shalt  }
0x4d: {  	_ =	shalt  }
0x4e: {  	_ =	shalt  }
0x4f: {  	_ =	shalt  }
0x50: {  	_ =	shalt  }
0x51: {  	_ =	shalt  }
0x52: {  	_ =	shalt  }
0x53: {  	_ =	shalt  }
0x54: {  	_ =	shalt  }
0x55: {  	_ =	shalt  }
0x56: {  	_ =	shalt  }
0x57: {  	_ =	shalt  }
0x58: {  	_ =	shalt  }
0x59: {  	_ =	shalt  }
0x5a: {  	_ =	shalt  }
0x5b: {  	_ =	shalt  }
0x5c: {  	_ =	shalt  }
0x5d: {  	_ =	shalt  }
0x5e: {  	_ =	shalt  }
0x5f: {  	_ =	shalt  }
0x60: {  	_ =	shalt  }
0x61: {  	_ =	shalt  }
0x62: {  	_ =	shalt  }
0x63: {  	_ =	shalt  }
0x64: {  	_ =	shalt  }
0x65: {  	_ =	shalt  }
0x66: {  	_ =	shalt  }
0x67: {  	_ =	shalt  }
0x68: {  	_ =	shalt  }
0x69: {  	_ =	shalt  }
0x6a: {  	_ =	shalt  }
0x6b: {  	_ =	shalt  }
0x6c: {  	_ =	shalt  }
0x6d: {  	_ =	shalt  }
0x6e: {  	_ =	shalt  }
0x6f: {  	_ =	shalt  }
0x70: {  	_ =	shalt  }
0x71: {  	_ =	shalt  }
0x72: {  	_ =	shalt  }
0x73: {  	_ =	shalt  }
0x74: {  	_ =	shalt  }
0x75: {  	_ =	shalt  }
0x76: {  	_ =	shalt  }
0x77: {  	_ =	shalt  }
0x78: {  	_ =	shalt  }
0x79: {  	_ =	shalt  }
0x7a: {  	_ =	shalt  }
0x7b: {  	_ =	shalt  }
0x7c: {  	_ =	shalt  }
0x7d: {  	_ =	shalt  }
0x7e: {  	_ =	shalt  }
0x7f: {  	_ =	shalt  }
0x80: {  	_ =	shalt  }
0x81: {  	_ =	shalt  }
0x82: {  	_ =	shalt  }
0x83: {  	_ =	shalt  }
0x84: {  	_ =	shalt  }
0x85: {  	_ =	shalt  }
0x86: {  	_ =	shalt  }
0x87: {  	_ =	shalt  }
.Lfunc_end0:
.L_simem_size_0:
called_computation_lowered:
.L_overlay_start_0:
0x88: {  	s2 =	sld [smem:$0x3FD9]  }
0x89: {  	s3 =	sld [smem:$0x3FFE];
	_ =	sdelay $0x1  }
0x8a: {  	s1 =	srdreg.scid  }
0x8b: {  	s0 =	sand.u32 $0x1, s1  }
0x8c: {  	s17 =	sshll.u32 s0, $0xA;
	s2 =	sadd.s32 s3, s2  }
0x8d: {  	s2 =	sadd.s32 s2, s17  }
0x8e: {  	[smem:$0x3FC5] =	sst s2  }
0x8f: {  	_ = 	snop  }
0x90: {  	s2 =	sld [smem:$0x3FD0];
	(tm) =	ssettm $0x1  }
0x91: {  	s18 =	sld [smem:$0x3FFB];
	_ =	sdelay $0x3  }
0x92: {  	_ =	strace s18  }
0x93: {  	s3 =	sld [smem:$0x3FFC];
	_ =	sdelay $0x3  }
0x94: {  	_ =	strace s3  }
0x95: {  	s3 =	sld [smem:$0x3FFD];
	_ =	sdelay $0x3  }
0x96: {  	_ =	strace s3  }
0x97: {  	_ =	strace $0x8FFFFFFF  }
0x98: {  	s19 =	sld [smem:$0x3FDB];
	_ =	sdelay $0x1  }
0x99: {  	s4 =	simm.s32 $_scs_section_size  }
0x9a: {  	s5 =	simm.s32 $_size__tile_overlayer_lowered;
	s6 =	simm.s32 $_tile_overlayer_lowered  }
0x9b: {  	s22 =	simm.s32 $0x1BFF;
	s21 =	sshll.u32 s6, $0x1;
	s3 =	sadd.s32 s4, s19  }
0x9c: {  	s7 =	simm.s32 $0x0;
	s20 =	sshll.u32 s5, $0x1;
	s5 =	sadd.s32 s21, s3  }
0x9d: {  	[timem:s7], [sflag:s22] =	dma.local [hbm:s5], s20  }
0x9e: {  	_ =	swait.ge [sflag:s22], s20  }
0x9f: {  	s4 =	ssub.s32 $0x0, s20;
	[sflag:s22] =	ssyncset.done $0x0  }
0xa0: {  	[sflag:s22] =	ssyncadd.s32 s4;
	_ =	sdelay $0x1  }
0xa1: {  	s23 =	simm.s32 $0x1B8B  }
0xa2: {  	_ =	swait.ge [sflag:s23], $0x1  }
0xa3: {  	[sflag:s23] =	ssyncset.done $0x0  }
0xa4: {  	s25 =	simm.s32 $0x1B8E;
	s24 =	sld [smem:$0x3FFE];
	[sflag:s23] =	ssyncadd.s32 $0xFFFFFFFF  }
0xa5: {  	s26 =	simm.s32 $execute0_lowered;
	[smem:$0x3FD2] =	sst s25  }
0xa6: {  	s5 =	sshll.u32 s26, $0x1;
	_ =	strace $0x80000046;
	[dreg:$0x1] =	wrdreg $0xFFFFFFFF  }
0xa7: {  	s28 =	simm.s32 $_size_execute0_lowered;
	s3 =	sadd.s32 s3, s5;
	[dreg:$0x0] =	wrdreg $0x0  }
0xa8: {  	s5 =	sshll.u32 s28, $0x1;
	[dreg:$0x2] =	wrdreg s3  }
0xa9: {  	[dreg:$0x3] =	wrdreg s5  }
0xaa: {  	[dreg:$0x4] =	wrdreg $0xC0  }
0xab: {  	_ =	task [dreg:s7], $0x5FFFF  }
0xac: {  	[dreg:$0x1] =	wrdreg $0xFFFFFFFF  }
0xad: {  	[dreg:$0x0] =	wrdreg $0x60  }
0xae: {  	[dreg:$0x2] =	wrdreg s24  }
0xaf: {  	[dreg:$0x3] =	wrdreg s2  }
0xb0: {  	[dreg:$0x4] =	wrdreg $0x9  }
0xb1: {  	_ =	task.clear_ibuf [dreg:s7], $0x5FFFF;
	_ =	strace $0x90000046  }
0xb2: {  	s29 =	simm.s32 $0x9;
	_ =	strace $0x80000048  }
0xb3: {  	_ =	swait.ge [sflag:s29], $0x1  }
0xb4: {  	[sflag:s29] =	ssyncadd.s32 $0xFFFFFFFF  }
0xb5: {  	_ =	strace $0x90000048  }
0xb6: {  	_ =	sfence  }
0xb7: {  	s30 =	sld [smem:$0x0];
	_ =	sdelay $0x2  }
0xb8: {  	s31 =	sshll.u32 s1, $0xD;
	s1 =	sshrl.u32 s1, $0x2  }
0xb9: {  	s3 =	sand.u32 $0x4000, s31;
	s1 =	sadd.s32 s1, s30  }
0xba: {  	s0 =	sor.u32 s3, s0;
	s1 =	sshll.u32 s1, $0x11  }
0xbb: {  	s0 =	sor.u32 s1, s0  }
0xbc: {  	s0 =	sadd.s32 $0x8F2B, s0  }
0xbd: {  	[sflag:s0] =	ssyncadd.remote.s32 $0x1  }
0xbe: {  	_ =	sfence.sel $0xFFFF  }
0xbf: {  	[dreg:$0x0] =	wrdreg $0xFFFFFFFF;
	(pc) =	sbr.abs _section_cstart, $3  }
0xc0: {  	[dreg:$0x1] =	wrdreg $0xFFFFFFFF  }
0xc1: {  	_ =	task.clear_ibuf [dreg:s7], $0x2FFFF;
	_ =	strace $0x9FFFFFFF  }
0xc2: {  	(tm) =	ssettm $0x7FFFFFFF  }
0xc3: {  	_ =	shalt  }
tec
execute0_lowered:
.L_overlay_start_1:
0x0: {  	(tag) =	ssettag $0x1  }
0x1: {  	s0 =	rddreg [dreg:$0x0]  }
0x2: {  	s15 =	rddreg [dreg:$0x1]  }
0x3: {  	s1 =	simm.s32 $0x0;
	s23 =	srdreg.scid;
	s3 =	stileid.u32  }
0x4: {  	s10 =	simm.s32 $0x80;
	s12 =	simm.s32 $0x2;
	s16 =	simm.s32 $0x2600  }
0x5: {  	s17 =	simm.s32 $0x180;
	s18 =	simm.s32 $0x3600;
	s19 =	simm.s32 $0x200  }
0x6: {  	s20 =	simm.s32 $0x4600;
	s21 =	simm.s32 $0x280;
	s22 =	simm.s32 $0x5600  }
0x7: {  	s28 =	simm.s32 $0x400;
	s29 =	simm.s32 $0x8600;
	s30 =	simm.s32 $0x480  }
0x8: {  	s31 =	simm.s32 $0x9600;
	s9 =	simm.s32 $0x580;
	s8 =	simm.s32 $0x0  }
0x9: {  	[smem:$0x7FF] =	sst s1;
	s1 =	sand.u32 $0x1, s23;
	s4 =	sadd.s32 $0x5A2200, s0  }
0xa: {  	s3 =	sshll.u32 s3, $0x1;
	s5 =	sadd.s32 $0xA00, s0;
	s0 =	sadd.s32 $0x35200, s0  }
0xb: {  	s25 =	sadd.s32 $0x8C000, s15;
	_ =	strace $0x80000047;
	[dreg:$0x3] =	wrdreg s5  }
0xc: {  	s23 =	simm.s32 $0x300;
	s2 =	ssub.s32 $0x2, s1;
	[dreg:$0x4] =	wrdreg s0  }
0xd: {  	s1 =	sor.u32 s1, s3;
	[dreg:$0x5] =	wrdreg s25;
	s25 =	simm.s32 $0x380  }
0xe: {  	s0 =	simm.s32 $0x500;
	s3 =	simm.s32 $0x1;
	s24 =	sshrl.u32 s2, $0x1  }
0xf: {  	s5 =	simm.s32 $0xC600;
	s6 =	smul.u32 $0x23, s1;
	s2 =	ssub.s32 s2, s24  }
0x10: {  	s1 =	simm.s32 $0xB600;
	s24 =	simm.s32 $0x6600;
	s26 =	smax.u32 s2, $0x1  }
0x11: {  	s2 =	simm.s32 $0xA600;
	[dreg:$0x6] =	wrdreg s26;
	s26 =	simm.s32 $0x7600  }
.LBB2_1:
0x12: {  	[dreg:$0x7] =	wrdreg s8;
	s8 =	simm.s32 $0x0  }
.LBB2_2:
0x13: {  	s7 =	sadd.s32 s6, s8  }
0x14: {  	s13 =	rddreg [dreg:$0x3];
	s11 =	sshll.u32 s7, $0x4  }
0x15: {  	s14 =	simm.s32 $0x23000;
	s11 =	sadd.s32 s13, s11;
	s13 =	simm.s32 $0x0  }
0x16: {  	[tilespmem:s13], [sflag:$0x2] =	stream.strided.gather [hbm4b:s11+s10], $0x600, s14, s10, $0x38;
	[tilespmem:$0xD600] =	vst v63  }
0x17: {  	_ =	swait.ge [sflag:s12], $0x600  }
0x18: {  	[sflag:s12] =	ssyncset.done $0x0  }
0x19: {  	s14 =	simm.s32 $0x600;
	[sflag:s12] =	ssyncadd.s32 $0xFFFFFA00  }
0x1a: {  	[tilespmem:s14], [sflag:$0x1] =	stream.indirect.gather [hbm4b:s4+s10], $0x20, s13, s10, $0xb8;
	[tilespmem:$0xD600] =	vst v63  }
0x1b: {  	s13 =	simm.s32 $0x1600  }
0x1c: {  	[tilespmem:s13], [sflag:$0x1] =	stream.indirect.gather [hbm4b:s4+s10], $0x20, s10, s10, $0xb8;
	[tilespmem:$0xD600] =	vst v63  }
0x1d: {  	s14 =	simm.s32 $0x100  }
0x1e: {  	[tilespmem:s16], [sflag:$0x1] =	stream.indirect.gather [hbm4b:s4+s10], $0x20, s14, s10, $0xb8;
	[tilespmem:$0xD600] =	vst v63  }
0x1f: {  	_ = 	snop  }
0x20: {  	[tilespmem:s18], [sflag:$0x1] =	stream.indirect.gather [hbm4b:s4+s10], $0x20, s17, s10, $0xb8;
	[tilespmem:$0xD600] =	vst v63  }
0x21: {  	_ = 	snop  }
0x22: {  	[tilespmem:s20], [sflag:$0x1] =	stream.indirect.gather [hbm4b:s4+s10], $0x20, s19, s10, $0xb8;
	[tilespmem:$0xD600] =	vst v63  }
0x23: {  	_ = 	snop  }
0x24: {  	[tilespmem:s22], [sflag:$0x1] =	stream.indirect.gather [hbm4b:s4+s10], $0x20, s21, s10, $0xb8;
	[tilespmem:$0xD600] =	vst v63  }
0x25: {  	_ = 	snop  }
0x26: {  	[tilespmem:s24], [sflag:$0x1] =	stream.indirect.gather [hbm4b:s4+s10], $0x20, s23, s10, $0xb8;
	[tilespmem:$0xD600] =	vst v63  }
0x27: {  	_ = 	snop  }
0x28: {  	[tilespmem:s26], [sflag:$0x1] =	stream.indirect.gather [hbm4b:s4+s10], $0x20, s25, s10, $0xb8;
	[tilespmem:$0xD600] =	vst v63  }
0x29: {  	_ = 	snop  }
0x2a: {  	[tilespmem:s29], [sflag:$0x1] =	stream.indirect.gather [hbm4b:s4+s10], $0x20, s28, s10, $0xb8;
	[tilespmem:$0xD600] =	vst v63  }
0x2b: {  	_ = 	snop  }
0x2c: {  	[tilespmem:s31], [sflag:$0x1] =	stream.indirect.gather [hbm4b:s4+s10], $0x20, s30, s10, $0xb8;
	[tilespmem:$0xD600] =	vst v63  }
0x2d: {  	_ = 	snop  }
0x2e: {  	[tilespmem:s2], [sflag:$0x1] =	stream.indirect.gather [hbm4b:s4+s10], $0x20, s0, s10, $0xb8;
	[tilespmem:$0xD600] =	vst v63  }
0x2f: {  	_ = 	snop  }
0x30: {  	[tilespmem:s1], [sflag:$0x1] =	stream.indirect.gather [hbm4b:s4+s10], $0x20, s9, s10, $0xb8;
	[tilespmem:$0xD600] =	vst v63  }
0x31: {  	_ =	swait.ge [sflag:s3], $0x1000  }
0x32: {  	[sflag:s3] =	ssyncset.done $0x0  }
0x33: {  	[sflag:s3] =	ssyncadd.s32 $0xFFFFF000  }
0x34: {  	_ =	swait.ge [sflag:s3], $0x1000  }
0x35: {  	[sflag:s3] =	ssyncset.done $0x0  }
0x36: {  	[sflag:s3] =	ssyncadd.s32 $0xFFFFF000  }
0x37: {  	_ =	swait.ge [sflag:s3], $0x1000  }
0x38: {  	[sflag:s3] =	ssyncset.done $0x0  }
0x39: {  	[sflag:s3] =	ssyncadd.s32 $0xFFFFF000  }
0x3a: {  	_ =	swait.ge [sflag:s3], $0x1000  }
0x3b: {  	[sflag:s3] =	ssyncset.done $0x0  }
0x3c: {  	[sflag:s3] =	ssyncadd.s32 $0xFFFFF000  }
0x3d: {  	_ =	swait.ge [sflag:s3], $0x1000  }
0x3e: {  	[sflag:s3] =	ssyncset.done $0x0  }
0x3f: {  	[sflag:s3] =	ssyncadd.s32 $0xFFFFF000  }
0x40: {  	_ =	swait.ge [sflag:s3], $0x1000  }
0x41: {  	[sflag:s3] =	ssyncset.done $0x0  }
0x42: {  	[sflag:s3] =	ssyncadd.s32 $0xFFFFF000  }
0x43: {  	_ =	swait.ge [sflag:s3], $0x1000  }
0x44: {  	[sflag:s3] =	ssyncset.done $0x0  }
0x45: {  	[sflag:s3] =	ssyncadd.s32 $0xFFFFF000  }
0x46: {  	_ =	swait.ge [sflag:s3], $0x1000  }
0x47: {  	[sflag:s3] =	ssyncset.done $0x0  }
0x48: {  	[sflag:s3] =	ssyncadd.s32 $0xFFFFF000  }
0x49: {  	_ =	swait.ge [sflag:s3], $0x1000  }
0x4a: {  	[sflag:s3] =	ssyncset.done $0x0  }
0x4b: {  	[sflag:s3] =	ssyncadd.s32 $0xFFFFF000  }
0x4c: {  	_ =	swait.ge [sflag:s3], $0x1000  }
0x4d: {  	[sflag:s3] =	ssyncset.done $0x0  }
0x4e: {  	[sflag:s3] =	ssyncadd.s32 $0xFFFFF000  }
0x4f: {  	_ =	swait.ge [sflag:s3], $0x1000  }
0x50: {  	[sflag:s3] =	ssyncset.done $0x0  }
0x51: {  	[sflag:s3] =	ssyncadd.s32 $0xFFFFF000  }
0x52: {  	_ =	swait.ge [sflag:s3], $0x1000  }
0x53: {  	[sflag:s3] =	ssyncset.done $0x0  }
0x54: {  	s11 =	simm.s32 $0x0;
	[sflag:s3] =	ssyncadd.s32 $0xFFFFF000  }
0x55: {  	v0 =	vld [tilespmem:s11+$0x610]  }
0x56: {  	v1 =	vld [tilespmem:s11+$0x1610]  }
0x57: {  	v2 =	vld [tilespmem:s11+$0x600]  }
0x58: {  	v3 =	vld [tilespmem:s11+$0x2610]  }
0x59: {  	v4 =	vld [tilespmem:s11+$0x1600]  }
0x5a: {  	v5 =	vld [tilespmem:s11+$0x3610]  }
0x5b: {  	v6 =	vld [tilespmem:s11+$0x2600];
	v0 =	vadd.f32 v1, v0  }
0x5c: {  	v1 =	vld [tilespmem:s11+$0x4610]  }
0x5d: {  	v7 =	vld [tilespmem:s11+$0x3600];
	v0 =	vadd.f32 v3, v0  }
0x5e: {  	v2 =	vadd.f32 v4, v2;
	v3 =	vld [tilespmem:s11+$0x5610]  }
0x5f: {  	v4 =	vld [tilespmem:s11+$0x4600];
	v0 =	vadd.f32 v5, v0  }
0x60: {  	v2 =	vadd.f32 v6, v2;
	v5 =	vld [tilespmem:s11+$0x6610]  }
0x61: {  	v6 =	vld [tilespmem:s11+$0x5600];
	v0 =	vadd.f32 v1, v0  }
0x62: {  	v2 =	vadd.f32 v7, v2;
	v1 =	vld [tilespmem:s11+$0x7610]  }
0x63: {  	v7 =	vld [tilespmem:s11+$0x6600];
	v0 =	vadd.f32 v3, v0  }
0x64: {  	v2 =	vadd.f32 v4, v2;
	v3 =	vld [tilespmem:s11+$0x8610]  }
0x65: {  	v8 =	vld [tilespmem:s11+$0x7600];
	v0 =	vadd.f32 v5, v0  }
0x66: {  	v2 =	vadd.f32 v6, v2;
	v5 =	vld [tilespmem:s11+$0x9610]  }
0x67: {  	v6 =	vld [tilespmem:s11+$0x8600];
	v0 =	vadd.f32 v1, v0  }
0x68: {  	v9 =	vld [tilespmem:s11+$0xA610];
	v1 =	vadd.f32 v7, v2  }
0x69: {  	v2 =	vld [tilespmem:s11+$0x9600];
	v0 =	vadd.f32 v3, v0  }
0x6a: {  	v4 =	vld [tilespmem:s11+$0xB610];
	v7 =	vadd.f32 v8, v1  }
0x6b: {  	v3 =	vld [tilespmem:s11+$0xA600];
	v8 =	vadd.f32 v5, v0  }
0x6c: {  	s13 =	simm.s32 $0x20;
	v1 =	vld [tilespmem:s11+$0xB600];
	v5 =	vadd.f32 v6, v7  }
0x6d: {  	s14 =	simm.s32 $0x100;
	v0 =	vld [tilespmem:s13+$0x610];
	v6 =	vadd.f32 v9, v8  }
.LBB2_3:
0x6e: {  	p0 =	sne.s32 s14, $0x3F80;
	v7 =	vld [tilespmem:s13+$0x1610];
	v2 =	vadd.f32 v2, v5  }
0x6f: {  	v5 =	vld [tilespmem:s13+$0x600];
	v4 =	vadd.f32 v4, v6  }
0x70: {  	v6 =	vld [tilespmem:s13+$0x2610];
	v2 =	vadd.f32 v3, v2  }
0x71: {  	v3 =	vld [tilespmem:s13+$0x1600];
	v4 =	vmul.f32 $8.333333580e-02, v4  }
0x72: {  	v8 =	vld [tilespmem:s13+$0x3610];
	v1 =	vadd.f32 v1, v2  }
0x73: {  	v2 =	vld [tilespmem:s13+$0x2600];
	v0 =	vadd.f32 v7, v0;
	[tilespmem:s11+$0xC610] =	vst v4  }
0x74: {  	v4 =	vld [tilespmem:s13+$0x4610];
	v1 =	vmul.f32 $8.333333580e-02, v1  }
0x75: {  	v7 =	vld [tilespmem:s13+$0x3600];
	v0 =	vadd.f32 v6, v0  }
0x76: {  	v3 =	vadd.f32 v3, v5;
	v5 =	vld [tilespmem:s13+$0x5610];
	[tilespmem:s11+$0xC600] =	vst v1;
	s11 =	smov.u32 s13  }
0x77: {  	v1 =	vld [tilespmem:s11+$0x4600];
	v0 =	vadd.f32 v8, v0  }
0x78: {  	v2 =	vadd.f32 v2, v3;
	v3 =	vld [tilespmem:s11+$0x6610]  }
0x79: {  	v6 =	vld [tilespmem:s11+$0x5600];
	v0 =	vadd.f32 v4, v0  }
0x7a: {  	v2 =	vadd.f32 v7, v2;
	v4 =	vld [tilespmem:s11+$0x7610]  }
0x7b: {  	v7 =	vld [tilespmem:s11+$0x6600];
	v0 =	vadd.f32 v5, v0  }
0x7c: {  	v1 =	vadd.f32 v1, v2;
	v5 =	vld [tilespmem:s11+$0x8610]  }
0x7d: {  	v8 =	vld [tilespmem:s11+$0x7600];
	v0 =	vadd.f32 v3, v0  }
0x7e: {  	v1 =	vadd.f32 v6, v1;
	v6 =	vld [tilespmem:s11+$0x9610]  }
0x7f: {  	v9 =	vld [tilespmem:s11+$0x8600];
	v0 =	vadd.f32 v4, v0  }
0x80: {  	v1 =	vadd.f32 v7, v1;
	v7 =	vld [tilespmem:s11+$0xA610]  }
.Ltmp0:
0x81: {  	v2 =	vld [tilespmem:s11+$0x9600];
	v0 =	vadd.f32 v5, v0;
	(pc) =	sbr.rel @p0 .LBB2_3-.Ltmp0, $4  }
0x82: {  	v1 =	vadd.f32 v8, v1;
	v4 =	vld [tilespmem:s11+$0xB610]  }
0x83: {  	v3 =	vld [tilespmem:s11+$0xA600];
	v6 =	vadd.f32 v6, v0  }
0x84: {  	s13 =	sshra.s32 s14, $0x2;
	v5 =	vadd.f32 v9, v1;
	v1 =	vld [tilespmem:s11+$0xB600]  }
0x85: {  	s14 =	sadd.s32 $0x80, s14;
	v0 =	vld [tilespmem:s13+$0x610];
	v6 =	vadd.f32 v7, v6  }
0x86: {  	v7 =	vld [tilespmem:s13+$0x1610];
	v2 =	vadd.f32 v2, v5  }
0x87: {  	v8 =	vld [tilespmem:s13+$0x600];
	v4 =	vadd.f32 v4, v6  }
0x88: {  	v44 =	vld [tilespmem:s13+$0x2610];
	v2 =	vadd.f32 v3, v2  }
0x89: {  	v45 =	vld [tilespmem:s13+$0x1600];
	v46 =	vmul.f32 $8.333333580e-02, v4  }
0x8a: {  	v47 =	vld [tilespmem:s13+$0x3610];
	v1 =	vadd.f32 v1, v2  }
0x8b: {  	v9 =	vld [tilespmem:s13+$0x2600];
	[tilespmem:s11+$0xC610] =	vst v46  }
0x8c: {  	v48 =	vld [tilespmem:s13+$0x4610];
	v1 =	vmul.f32 $8.333333580e-02, v1  }
0x8d: {  	v0 =	vadd.f32 v7, v0;
	v3 =	vld [tilespmem:s13+$0x3600]  }
0x8e: {  	v6 =	vadd.f32 v45, v8;
	v49 =	vld [tilespmem:s13+$0x5610];
	[tilespmem:s11+$0xC600] =	vst v1  }
0x8f: {  	v0 =	vadd.f32 v44, v0;
	v1 =	vld [tilespmem:s13+$0x4600]  }
0x90: {  	v50 =	vadd.f32 v9, v6  }
0x91: {  	v0 =	vadd.f32 v47, v0;
	v51 =	vld [tilespmem:s13+$0x5600]  }
0x92: {  	v52 =	vld [tilespmem:s13+$0x6610];
	v3 =	vadd.f32 v3, v50  }
0x93: {  	v53 =	vld [tilespmem:s13+$0x6600];
	v0 =	vadd.f32 v48, v0  }
0x94: {  	v54 =	vld [tilespmem:s13+$0x7610];
	v1 =	vadd.f32 v1, v3  }
0x95: {  	v55 =	vld [tilespmem:s13+$0x7600];
	v0 =	vadd.f32 v49, v0  }
0x96: {  	v56 =	vld [tilespmem:s13+$0x8610];
	v1 =	vadd.f32 v51, v1  }
0x97: {  	v57 =	vld [tilespmem:s13+$0x8600];
	v0 =	vadd.f32 v52, v0  }
0x98: {  	v58 =	vld [tilespmem:s13+$0x9610];
	v1 =	vadd.f32 v53, v1  }
0x99: {  	v59 =	vld [tilespmem:s13+$0x9600];
	v0 =	vadd.f32 v54, v0  }
0x9a: {  	v60 =	vld [tilespmem:s13+$0xA610];
	v1 =	vadd.f32 v55, v1  }
0x9b: {  	v61 =	vld [tilespmem:s13+$0xA600];
	v0 =	vadd.f32 v56, v0  }
0x9c: {  	v62 =	vld [tilespmem:s13+$0xB610];
	v1 =	vadd.f32 v57, v1  }
0x9d: {  	v63 =	vld [tilespmem:s13+$0xB600];
	v0 =	vadd.f32 v58, v0  }
0x9e: {  	v1 =	vadd.f32 v59, v1  }
0x9f: {  	v0 =	vadd.f32 v60, v0  }
0xa0: {  	v1 =	vadd.f32 v61, v1  }
0xa1: {  	v0 =	vadd.f32 v62, v0  }
0xa2: {  	v1 =	vadd.f32 v63, v1  }
0xa3: {  	v0 =	vmul.f32 $8.333333580e-02, v0  }
0xa4: {  	s8 =	sadd.s32 $0x1, s8;
	v1 =	vmul.f32 $8.333333580e-02, v1  }
0xa5: {  	s7 =	sshll.u32 s7, $0x9;
	p0 =	sne.s32 s8, $0x23;
	[tilespmem:s13+$0xC610] =	vst v0  }
.Ltmp1:
0xa6: {  	s14 =	sadd.s32 s15, s7;
	s7 =	simm.s32 $0x0;
	[tilespmem:s13+$0xC600] =	vst v1;
	(pc) =	sbr.rel @p0 .LBB2_2-.Ltmp1, $4  }
0xa7: {  	[hbm4b:s14+s7] =	stream.linear.scatter [tilespmem:s5], [sflag:$0x2], $0x1000, $0x38;
	[tilespmem:$0xD600] =	vst v63  }
0xa8: {  	_ =	swait.ge [sflag:s12], $0x1000  }
0xa9: {  	[sflag:s12] =	ssyncset.done $0x0  }
0xaa: {  	[sflag:s12] =	ssyncadd.s32 $0xFFFFF000  }
0xab: {  	s8 =	simm.s32 $0x0  }
.LBB2_6:
0xac: {  	s11 =	sadd.s32 s6, s8  }
0xad: {  	s14 =	rddreg [dreg:$0x4];
	s13 =	sshll.u32 s11, $0x4  }
0xae: {  	s15 =	simm.s32 $0x23000;
	s13 =	sadd.s32 s13, s14  }
0xaf: {  	[tilespmem:s7], [sflag:$0x2] =	stream.strided.gather [hbm4b:s13+s10], $0x600, s15, s10, $0x38;
	[tilespmem:$0xD600] =	vst v63  }
0xb0: {  	_ =	swait.ge [sflag:s12], $0x600  }
0xb1: {  	[sflag:s12] =	ssyncset.done $0x0  }
0xb2: {  	s15 =	simm.s32 $0x600;
	[sflag:s12] =	ssyncadd.s32 $0xFFFFFA00  }
0xb3: {  	[tilespmem:s15], [sflag:$0x1] =	stream.indirect.gather [hbm4b:s4+s10], $0x20, s7, s10, $0xb8;
	[tilespmem:$0xD600] =	vst v63  }
0xb4: {  	s14 =	simm.s32 $0x1600  }
0xb5: {  	[tilespmem:s14], [sflag:$0x1] =	stream.indirect.gather [hbm4b:s4+s10], $0x20, s10, s10, $0xb8;
	[tilespmem:$0xD600] =	vst v63  }
0xb6: {  	s15 =	simm.s32 $0x100  }
0xb7: {  	[tilespmem:s16], [sflag:$0x1] =	stream.indirect.gather [hbm4b:s4+s10], $0x20, s15, s10, $0xb8;
	[tilespmem:$0xD600] =	vst v63  }
0xb8: {  	_ = 	snop  }
0xb9: {  	[tilespmem:s18], [sflag:$0x1] =	stream.indirect.gather [hbm4b:s4+s10], $0x20, s17, s10, $0xb8;
	[tilespmem:$0xD600] =	vst v63  }
0xba: {  	_ = 	snop  }
0xbb: {  	[tilespmem:s20], [sflag:$0x1] =	stream.indirect.gather [hbm4b:s4+s10], $0x20, s19, s10, $0xb8;
	[tilespmem:$0xD600] =	vst v63  }
0xbc: {  	_ = 	snop  }
0xbd: {  	[tilespmem:s22], [sflag:$0x1] =	stream.indirect.gather [hbm4b:s4+s10], $0x20, s21, s10, $0xb8;
	[tilespmem:$0xD600] =	vst v63  }
0xbe: {  	_ = 	snop  }
0xbf: {  	[tilespmem:s24], [sflag:$0x1] =	stream.indirect.gather [hbm4b:s4+s10], $0x20, s23, s10, $0xb8;
	[tilespmem:$0xD600] =	vst v63  }
0xc0: {  	_ = 	snop  }
0xc1: {  	[tilespmem:s26], [sflag:$0x1] =	stream.indirect.gather [hbm4b:s4+s10], $0x20, s25, s10, $0xb8;
	[tilespmem:$0xD600] =	vst v63  }
0xc2: {  	_ = 	snop  }
0xc3: {  	[tilespmem:s29], [sflag:$0x1] =	stream.indirect.gather [hbm4b:s4+s10], $0x20, s28, s10, $0xb8;
	[tilespmem:$0xD600] =	vst v63  }
0xc4: {  	_ = 	snop  }
0xc5: {  	[tilespmem:s31], [sflag:$0x1] =	stream.indirect.gather [hbm4b:s4+s10], $0x20, s30, s10, $0xb8;
	[tilespmem:$0xD600] =	vst v63  }
0xc6: {  	_ = 	snop  }
0xc7: {  	[tilespmem:s2], [sflag:$0x1] =	stream.indirect.gather [hbm4b:s4+s10], $0x20, s0, s10, $0xb8;
	[tilespmem:$0xD600] =	vst v63  }
0xc8: {  	_ = 	snop  }
0xc9: {  	[tilespmem:s1], [sflag:$0x1] =	stream.indirect.gather [hbm4b:s4+s10], $0x20, s9, s10, $0xb8;
	[tilespmem:$0xD600] =	vst v63  }
0xca: {  	_ =	swait.ge [sflag:s3], $0x1000  }
0xcb: {  	[sflag:s3] =	ssyncset.done $0x0  }
0xcc: {  	[sflag:s3] =	ssyncadd.s32 $0xFFFFF000  }
0xcd: {  	_ =	swait.ge [sflag:s3], $0x1000  }
0xce: {  	[sflag:s3] =	ssyncset.done $0x0  }
0xcf: {  	[sflag:s3] =	ssyncadd.s32 $0xFFFFF000  }
0xd0: {  	_ =	swait.ge [sflag:s3], $0x1000  }
0xd1: {  	[sflag:s3] =	ssyncset.done $0x0  }
0xd2: {  	[sflag:s3] =	ssyncadd.s32 $0xFFFFF000  }
0xd3: {  	_ =	swait.ge [sflag:s3], $0x1000  }
0xd4: {  	[sflag:s3] =	ssyncset.done $0x0  }
0xd5: {  	[sflag:s3] =	ssyncadd.s32 $0xFFFFF000  }
0xd6: {  	_ =	swait.ge [sflag:s3], $0x1000  }
0xd7: {  	[sflag:s3] =	ssyncset.done $0x0  }
0xd8: {  	[sflag:s3] =	ssyncadd.s32 $0xFFFFF000  }
0xd9: {  	_ =	swait.ge [sflag:s3], $0x1000  }
0xda: {  	[sflag:s3] =	ssyncset.done $0x0  }
0xdb: {  	[sflag:s3] =	ssyncadd.s32 $0xFFFFF000  }
0xdc: {  	_ =	swait.ge [sflag:s3], $0x1000  }
0xdd: {  	[sflag:s3] =	ssyncset.done $0x0  }
0xde: {  	[sflag:s3] =	ssyncadd.s32 $0xFFFFF000  }
0xdf: {  	_ =	swait.ge [sflag:s3], $0x1000  }
0xe0: {  	[sflag:s3] =	ssyncset.done $0x0  }
0xe1: {  	[sflag:s3] =	ssyncadd.s32 $0xFFFFF000  }
0xe2: {  	_ =	swait.ge [sflag:s3], $0x1000  }
0xe3: {  	[sflag:s3] =	ssyncset.done $0x0  }
0xe4: {  	[sflag:s3] =	ssyncadd.s32 $0xFFFFF000  }
0xe5: {  	_ =	swait.ge [sflag:s3], $0x1000  }
0xe6: {  	[sflag:s3] =	ssyncset.done $0x0  }
0xe7: {  	[sflag:s3] =	ssyncadd.s32 $0xFFFFF000  }
0xe8: {  	_ =	swait.ge [sflag:s3], $0x1000  }
0xe9: {  	[sflag:s3] =	ssyncset.done $0x0  }
0xea: {  	[sflag:s3] =	ssyncadd.s32 $0xFFFFF000  }
0xeb: {  	_ =	swait.ge [sflag:s3], $0x1000  }
0xec: {  	[sflag:s3] =	ssyncset.done $0x0  }
0xed: {  	s13 =	simm.s32 $0x0;
	[sflag:s3] =	ssyncadd.s32 $0xFFFFF000  }
0xee: {  	v0 =	vld [tilespmem:s13+$0x610]  }
0xef: {  	v1 =	vld [tilespmem:s13+$0x1610]  }
0xf0: {  	v2 =	vld [tilespmem:s13+$0x600]  }
0xf1: {  	v3 =	vld [tilespmem:s13+$0x2610]  }
0xf2: {  	v4 =	vld [tilespmem:s13+$0x1600]  }
0xf3: {  	v5 =	vld [tilespmem:s13+$0x3610]  }
0xf4: {  	v6 =	vld [tilespmem:s13+$0x2600];
	v0 =	vadd.f32 v1, v0  }
0xf5: {  	v1 =	vld [tilespmem:s13+$0x4610]  }
0xf6: {  	v7 =	vld [tilespmem:s13+$0x3600];
	v0 =	vadd.f32 v3, v0  }
0xf7: {  	v2 =	vadd.f32 v4, v2;
	v3 =	vld [tilespmem:s13+$0x5610]  }
0xf8: {  	v4 =	vld [tilespmem:s13+$0x4600];
	v0 =	vadd.f32 v5, v0  }
0xf9: {  	v2 =	vadd.f32 v6, v2;
	v5 =	vld [tilespmem:s13+$0x6610]  }
0xfa: {  	v6 =	vld [tilespmem:s13+$0x5600];
	v0 =	vadd.f32 v1, v0  }
0xfb: {  	v2 =	vadd.f32 v7, v2;
	v1 =	vld [tilespmem:s13+$0x7610]  }
0xfc: {  	v7 =	vld [tilespmem:s13+$0x6600];
	v0 =	vadd.f32 v3, v0  }
0xfd: {  	v2 =	vadd.f32 v4, v2;
	v3 =	vld [tilespmem:s13+$0x8610]  }
0xfe: {  	v8 =	vld [tilespmem:s13+$0x7600];
	v0 =	vadd.f32 v5, v0  }
0xff: {  	v2 =	vadd.f32 v6, v2;
	v5 =	vld [tilespmem:s13+$0x9610]  }
0x100: {  	v6 =	vld [tilespmem:s13+$0x8600];
	v0 =	vadd.f32 v1, v0  }
0x101: {  	v9 =	vld [tilespmem:s13+$0xA610];
	v1 =	vadd.f32 v7, v2  }
0x102: {  	v2 =	vld [tilespmem:s13+$0x9600];
	v0 =	vadd.f32 v3, v0  }
0x103: {  	v4 =	vld [tilespmem:s13+$0xB610];
	v7 =	vadd.f32 v8, v1  }
0x104: {  	v3 =	vld [tilespmem:s13+$0xA600];
	v8 =	vadd.f32 v5, v0  }
0x105: {  	s14 =	simm.s32 $0x20;
	v1 =	vld [tilespmem:s13+$0xB600];
	v5 =	vadd.f32 v6, v7  }
0x106: {  	s15 =	simm.s32 $0x100;
	v0 =	vld [tilespmem:s14+$0x610];
	v6 =	vadd.f32 v9, v8  }
.LBB2_7:
0x107: {  	p0 =	sne.s32 s15, $0x3F80;
	v7 =	vld [tilespmem:s14+$0x1610];
	v2 =	vadd.f32 v2, v5  }
0x108: {  	v5 =	vld [tilespmem:s14+$0x600];
	v4 =	vadd.f32 v4, v6  }
0x109: {  	v6 =	vld [tilespmem:s14+$0x2610];
	v2 =	vadd.f32 v3, v2  }
0x10a: {  	v3 =	vld [tilespmem:s14+$0x1600];
	v4 =	vmul.f32 $8.333333580e-02, v4  }
0x10b: {  	v8 =	vld [tilespmem:s14+$0x3610];
	v1 =	vadd.f32 v1, v2  }
0x10c: {  	v2 =	vld [tilespmem:s14+$0x2600];
	v0 =	vadd.f32 v7, v0;
	[tilespmem:s13+$0xC610] =	vst v4  }
0x10d: {  	v4 =	vld [tilespmem:s14+$0x4610];
	v1 =	vmul.f32 $8.333333580e-02, v1  }
0x10e: {  	v7 =	vld [tilespmem:s14+$0x3600];
	v0 =	vadd.f32 v6, v0  }
0x10f: {  	v3 =	vadd.f32 v3, v5;
	v5 =	vld [tilespmem:s14+$0x5610];
	[tilespmem:s13+$0xC600] =	vst v1;
	s13 =	smov.u32 s14  }
0x110: {  	v1 =	vld [tilespmem:s13+$0x4600];
	v0 =	vadd.f32 v8, v0  }
0x111: {  	v2 =	vadd.f32 v2, v3;
	v3 =	vld [tilespmem:s13+$0x6610]  }
0x112: {  	v6 =	vld [tilespmem:s13+$0x5600];
	v0 =	vadd.f32 v4, v0  }
0x113: {  	v2 =	vadd.f32 v7, v2;
	v4 =	vld [tilespmem:s13+$0x7610]  }
0x114: {  	v7 =	vld [tilespmem:s13+$0x6600];
	v0 =	vadd.f32 v5, v0  }
0x115: {  	v1 =	vadd.f32 v1, v2;
	v5 =	vld [tilespmem:s13+$0x8610]  }
0x116: {  	v8 =	vld [tilespmem:s13+$0x7600];
	v0 =	vadd.f32 v3, v0  }
0x117: {  	v1 =	vadd.f32 v6, v1;
	v6 =	vld [tilespmem:s13+$0x9610]  }
0x118: {  	v9 =	vld [tilespmem:s13+$0x8600];
	v0 =	vadd.f32 v4, v0  }
0x119: {  	v1 =	vadd.f32 v7, v1;
	v7 =	vld [tilespmem:s13+$0xA610]  }
.Ltmp2:
0x11a: {  	v2 =	vld [tilespmem:s13+$0x9600];
	v0 =	vadd.f32 v5, v0;
	(pc) =	sbr.rel @p0 .LBB2_7-.Ltmp2, $4  }
0x11b: {  	v1 =	vadd.f32 v8, v1;
	v4 =	vld [tilespmem:s13+$0xB610]  }
0x11c: {  	v3 =	vld [tilespmem:s13+$0xA600];
	v6 =	vadd.f32 v6, v0  }
0x11d: {  	s14 =	sshra.s32 s15, $0x2;
	v5 =	vadd.f32 v9, v1;
	v1 =	vld [tilespmem:s13+$0xB600]  }
0x11e: {  	s15 =	sadd.s32 $0x80, s15;
	v0 =	vld [tilespmem:s14+$0x610];
	v6 =	vadd.f32 v7, v6  }
0x11f: {  	v7 =	vld [tilespmem:s14+$0x1610];
	v2 =	vadd.f32 v2, v5  }
0x120: {  	v8 =	vld [tilespmem:s14+$0x600];
	v4 =	vadd.f32 v4, v6  }
0x121: {  	v44 =	vld [tilespmem:s14+$0x2610];
	v2 =	vadd.f32 v3, v2  }
0x122: {  	v45 =	vld [tilespmem:s14+$0x1600];
	v46 =	vmul.f32 $8.333333580e-02, v4  }
0x123: {  	v47 =	vld [tilespmem:s14+$0x3610];
	v1 =	vadd.f32 v1, v2  }
0x124: {  	v9 =	vld [tilespmem:s14+$0x2600];
	[tilespmem:s13+$0xC610] =	vst v46  }
0x125: {  	v48 =	vld [tilespmem:s14+$0x4610];
	v1 =	vmul.f32 $8.333333580e-02, v1  }
0x126: {  	v0 =	vadd.f32 v7, v0;
	v3 =	vld [tilespmem:s14+$0x3600]  }
0x127: {  	v6 =	vadd.f32 v45, v8;
	v49 =	vld [tilespmem:s14+$0x5610];
	[tilespmem:s13+$0xC600] =	vst v1  }
0x128: {  	v0 =	vadd.f32 v44, v0;
	v1 =	vld [tilespmem:s14+$0x4600]  }
0x129: {  	v50 =	vadd.f32 v9, v6  }
0x12a: {  	v0 =	vadd.f32 v47, v0;
	v51 =	vld [tilespmem:s14+$0x5600]  }
0x12b: {  	v52 =	vld [tilespmem:s14+$0x6610];
	v3 =	vadd.f32 v3, v50  }
0x12c: {  	v53 =	vld [tilespmem:s14+$0x6600];
	v0 =	vadd.f32 v48, v0  }
0x12d: {  	v54 =	vld [tilespmem:s14+$0x7610];
	v1 =	vadd.f32 v1, v3  }
0x12e: {  	v55 =	vld [tilespmem:s14+$0x7600];
	v0 =	vadd.f32 v49, v0  }
0x12f: {  	v56 =	vld [tilespmem:s14+$0x8610];
	v1 =	vadd.f32 v51, v1  }
0x130: {  	v57 =	vld [tilespmem:s14+$0x8600];
	v0 =	vadd.f32 v52, v0  }
0x131: {  	v58 =	vld [tilespmem:s14+$0x9610];
	v1 =	vadd.f32 v53, v1  }
0x132: {  	v59 =	vld [tilespmem:s14+$0x9600];
	v0 =	vadd.f32 v54, v0  }
0x133: {  	v60 =	vld [tilespmem:s14+$0xA610];
	v1 =	vadd.f32 v55, v1  }
0x134: {  	v61 =	vld [tilespmem:s14+$0xA600];
	v0 =	vadd.f32 v56, v0  }
0x135: {  	v62 =	vld [tilespmem:s14+$0xB610];
	v1 =	vadd.f32 v57, v1  }
0x136: {  	v63 =	vld [tilespmem:s14+$0xB600];
	v0 =	vadd.f32 v58, v0  }
0x137: {  	v1 =	vadd.f32 v59, v1  }
0x138: {  	v0 =	vadd.f32 v60, v0  }
0x139: {  	v1 =	vadd.f32 v61, v1  }
0x13a: {  	v0 =	vadd.f32 v62, v0  }
0x13b: {  	v1 =	vadd.f32 v63, v1  }
0x13c: {  	v0 =	vmul.f32 $8.333333580e-02, v0  }
0x13d: {  	v1 =	vmul.f32 $8.333333580e-02, v1  }
0x13e: {  	s8 =	sadd.s32 $0x1, s8;
	[tilespmem:s14+$0xC610] =	vst v0  }
0x13f: {  	s11 =	sshll.u32 s11, $0x9;
	p0 =	sne.s32 s8, $0x23;
	[tilespmem:s14+$0xC600] =	vst v1;
	s14 =	rddreg [dreg:$0x5]  }
.Ltmp3:
0x140: {  	s15 =	simm.s32 $0x0;
	s11 =	sadd.s32 s11, s14;
	(pc) =	sbr.rel @p0 .LBB2_6-.Ltmp3, $4  }
0x141: {  	[hbm4b:s11+s15] =	stream.linear.scatter [tilespmem:s5], [sflag:$0x2], $0x1000, $0x38;
	[tilespmem:$0xD600] =	vst v63  }
0x142: {  	_ =	swait.ge [sflag:s12], $0x1000  }
0x143: {  	[sflag:s12] =	ssyncset.done $0x0  }
0x144: {  	[sflag:s12] =	ssyncadd.s32 $0xFFFFF000  }
0x145: {  	s8 =	rddreg [dreg:$0x7]  }
0x146: {  	s7 =	rddreg [dreg:$0x6];
	s8 =	sadd.s32 $0x1, s8  }
0x147: {  	p0 =	sne.s32 s8, s7  }
.Ltmp4:
0x148: {  	_ = 	snop;
	(pc) =	sbr.rel @p0 .LBB2_1-.Ltmp4, $2  }
0x149: {  	_ =	sdelay $0x2  }
0x14a: {  	s15 =	rddreg [dreg:$0x1]  }
0x14b: {  	_ =	sfence.sel $0x180000  }
0x14c: {  	[bflag:$0x0] =	sbarrier.arrive $0xFFFF  }
0x14d: {  	_ =	strace $0x90000047  }
0x14e: {  	s0 =	stileid.u32;
	[bflag:$0x2] =	sbarrier.arrive $0xFFFF  }
0x14f: {  	p0 =	sne.s32 s0, $0x0;
	s0 =	rddreg [dreg:$0x2]  }
0x150: {  	s0 =	sadd.s32 @!p0 $0x100000, s0  }
0x151: {  	[sflag:s0] =	ssyncadd.tile.s32 @!p0 $0x1;
	_ =	shalt  }
.Lfunc_end2:
_tile_overlayer_lowered:
.L_overlay_start_2:
0x152: {  	(tag) =	ssettag $0x2  }
0x153: {  	s0 =	rddreg [dreg:$0x0];
	s2 =	stileid.u32  }
0x154: {  	s1 =	rddreg [dreg:$0x1];
	p0 =	sne.s32 s2, $0x0  }
0x155: {  	s3 =	rddreg [dreg:$0x2];
	[bflag:$0x3] =	sbarrier.arrive $0xFFFF;
	s2 =	simm.s32 @!p0 $0x1C02  }
0x156: {  	[timem:s3], [sflag:s2] =	dma.local @!p0 [hbm:s0], s1  }
0x157: {  	s0 =	simm.s32 @!p0 $0x2  }
0x158: {  	_ =	swait.ge @!p0 [sflag:s0], s1  }
0x159: {  	s1 =	ssub.s32 @!p0 $0x0, s1;
	[sflag:s0] =	ssyncset.done @!p0 $0x0  }
0x15a: {  	[sflag:s0] =	ssyncadd.s32 @!p0 s1  }
0x15b: {  	[bflag:$0x3] =	sbarrier.arrive $0xFFFF  }
0x15c: {  	_ =	shalt  }

</sc_bundles>
